<compile_context>
chip_gen: v7x
topology: tpu7x:2x2x1
jax: 0.10.2.dev20260603
libtpu: 0.0.44.dev20260713+nightly
codegen_flags: <defaults>
</compile_context>

<pallas_src>
import functools

import jax
import jax.numpy as jnp
from jax import lax
from jax.experimental import pallas as pl
from jax.experimental.pallas import tpu as pltpu
from jax.experimental.pallas import tpu_sc as plsc

N = 10000
D = 128
E = 320000
MID = 256

NC = 2
NS = 16
NW = NC * NS

C = 128
RPT = 80
ROWS = NW * RPT
EPAD = ROWS * C
NPAD = 10112
RZ = NPAD // NS

_sc_mesh = plsc.VectorSubcoreMesh(
    core_axis_name="c", subcore_axis_name="s", num_cores=NC, num_subcores=NS)


MROWS = 2496
TROWS = ROWS - MROWS


@functools.partial(
    pl.kernel,
    out_type=jax.ShapeDtypeStruct((NC * NPAD,), jnp.float32),
    mesh=_sc_mesh,
    scratch_types=[
        pltpu.VMEM((RPT, C), jnp.int32),
        pltpu.VMEM((C,), jnp.float32),
        pltpu.VMEM((RZ,), jnp.float32),
        pltpu.SemaphoreType.DMA,
        pltpu.VMEM_SHARED((NPAD,), jnp.float32),
    ],
)
def _sc_degree(dst_hbm, dstt_hbm, out_hbm, dst_v, ones_v, stage_v, sem, acc_s):
    cid = lax.axis_index("c")
    sid = lax.axis_index("s")
    wid = sid * NC + cid

    @pl.when(wid != NW - 1)
    def _():
        pltpu.sync_copy(dst_hbm.at[pl.ds(wid * RPT, RPT)], dst_v)

    @pl.when(wid == NW - 1)
    def _():
        pltpu.sync_copy(dst_hbm.at[pl.ds(MROWS - 16, 16)],
                        dst_v.at[pl.ds(0, 16)])
        pltpu.sync_copy(dstt_hbm, dst_v.at[pl.ds(16, TROWS)])

    one = jnp.full((16,), 1.0, jnp.float32)
    zero = jnp.full((16,), 0.0, jnp.float32)

    def fill1(i, carry):
        ones_v[pl.ds(i * 16, 16)] = one
        return carry
    lax.fori_loop(0, C // 16, fill1, 0)

    def fill0(i, carry):
        stage_v[pl.ds(i * 8, 16)] = zero
        return carry
    lax.fori_loop(0, (RZ - 16) // 8 + 1, fill0, 0)

    pltpu.sync_copy(stage_v, acc_s.at[pl.ds(sid * RZ, RZ)])
    plsc.subcore_barrier()

    def body(j, carry):
        pltpu.async_copy(ones_v, acc_s.at[dst_v.at[j]], sem, add=True)
        return carry
    lax.fori_loop(0, RPT, body, 0)

    def drain(j, carry):
        pltpu.make_async_copy(ones_v, acc_s.at[dst_v.at[0]], sem).wait()
        return carry
    lax.fori_loop(0, RPT, drain, 0)
    plsc.subcore_barrier()

    pltpu.sync_copy(acc_s.at[pl.ds(sid * RZ, RZ)], stage_v)
    pltpu.sync_copy(stage_v, out_hbm.at[pl.ds(cid * NPAD + sid * RZ, RZ)])


HRPT = RPT // 2


@functools.partial(
    pl.kernel,
    out_type=jax.ShapeDtypeStruct((NC, NPAD, D), jnp.float32),
    mesh=_sc_mesh,
    scratch_types=[
        pltpu.VMEM((HRPT, C), jnp.int32),
        pltpu.VMEM((HRPT, C), jnp.int32),
        pltpu.VMEM((C, D), jnp.float32),
        pltpu.VMEM((C, D), jnp.float32),
        pltpu.SemaphoreType.DMA,
        pltpu.SemaphoreType.DMA,
        pltpu.VMEM_SHARED((NPAD, D), jnp.float32),
    ],
)
def _sc_aggregate(y_hbm, src_hbm, srct_hbm, dst_hbm, dstt_hbm, zeros_hbm,
                  out_hbm, src_v, dst_v, buf_a, buf_b, sem_a, sem_b, acc_s):
    cid = lax.axis_index("c")
    sid = lax.axis_index("s")
    wid = sid * NC + cid

    pltpu.sync_copy(zeros_hbm, buf_a)
    zbase = sid * RZ

    def zbody(k, carry):
        pltpu.sync_copy(buf_a, acc_s.at[pl.ds(zbase + k * C, C)])
        return carry
    lax.fori_loop(0, 4, zbody, 0)
    pltpu.sync_copy(buf_a.at[pl.ds(0, RZ - 4 * C)],
                    acc_s.at[pl.ds(zbase + 4 * C, RZ - 4 * C)])
    plsc.subcore_barrier()

    for p in range(2):
        base = wid * RPT + p * HRPT

        @pl.when(wid != NW - 1)
        def _():
            pltpu.sync_copy(src_hbm.at[pl.ds(base, HRPT)], src_v)
            pltpu.sync_copy(dst_hbm.at[pl.ds(base, HRPT)], dst_v)

        if p == 0:
            @pl.when(wid == NW - 1)
            def _():
                pltpu.sync_copy(src_hbm.at[pl.ds(MROWS - 16, 16)],
                                src_v.at[pl.ds(0, 16)])
                pltpu.sync_copy(srct_hbm.at[pl.ds(0, HRPT - 16)],
                                src_v.at[pl.ds(16, HRPT - 16)])
                pltpu.sync_copy(dst_hbm.at[pl.ds(MROWS - 16, 16)],
                                dst_v.at[pl.ds(0, 16)])
                pltpu.sync_copy(dstt_hbm.at[pl.ds(0, HRPT - 16)],
                                dst_v.at[pl.ds(16, HRPT - 16)])
        else:
            @pl.when(wid == NW - 1)
            def _():
                pltpu.sync_copy(srct_hbm.at[pl.ds(HRPT - 16, HRPT)], src_v)
                pltpu.sync_copy(dstt_hbm.at[pl.ds(HRPT - 16, HRPT)], dst_v)

        ga = pltpu.async_copy(y_hbm.at[src_v.at[0]], buf_a, sem_a)
        gb = pltpu.async_copy(y_hbm.at[src_v.at[1]], buf_b, sem_b)

        def body(j, carry):
            ca = 2 * j
            pltpu.make_async_copy(y_hbm.at[src_v.at[ca]], buf_a, sem_a).wait()
            pltpu.sync_copy(buf_a, acc_s.at[dst_v.at[ca]], add=True)
            pltpu.async_copy(y_hbm.at[src_v.at[ca + 2]], buf_a, sem_a)
            pltpu.make_async_copy(
                y_hbm.at[src_v.at[ca + 1]], buf_b, sem_b).wait()
            pltpu.sync_copy(buf_b, acc_s.at[dst_v.at[ca + 1]], add=True)
            pltpu.async_copy(y_hbm.at[src_v.at[ca + 3]], buf_b, sem_b)
            return carry

        lax.fori_loop(0, HRPT // 2 - 1, body, 0)
        pltpu.make_async_copy(
            y_hbm.at[src_v.at[HRPT - 2]], buf_a, sem_a).wait()
        pltpu.sync_copy(buf_a, acc_s.at[dst_v.at[HRPT - 2]], add=True)
        pltpu.make_async_copy(
            y_hbm.at[src_v.at[HRPT - 1]], buf_b, sem_b).wait()
        pltpu.sync_copy(buf_b, acc_s.at[dst_v.at[HRPT - 1]], add=True)

    plsc.subcore_barrier()

    def obody(k, carry):
        pltpu.sync_copy(acc_s.at[pl.ds(zbase + k * C, C)], buf_a)
        pltpu.sync_copy(buf_a, out_hbm.at[cid, pl.ds(zbase + k * C, C)])
        return carry
    lax.fori_loop(0, 4, obody, 0)
    pltpu.sync_copy(acc_s.at[pl.ds(zbase + 4 * C, RZ - 4 * C)],
                    buf_a.at[pl.ds(0, RZ - 4 * C)])
    pltpu.sync_copy(buf_a.at[pl.ds(0, RZ - 4 * C)],
                    out_hbm.at[cid, pl.ds(zbase + 4 * C, RZ - 4 * C)])


def _tc_scale_body(x_ref, w_ref, dp_ref, y_ref, dinv_ref):
    dinv = lax.rsqrt(dp_ref[0] + dp_ref[1] + 1.0)
    xw = lax.dot_general(
        x_ref[...], w_ref[...], (((1,), (0,)), ((), ())),
        preferred_element_type=jnp.float32,
        precision=lax.Precision.HIGHEST)
    y_ref[...] = xw * dinv
    dinv_ref[...] = dinv


def _tc_scale(x, w, deg_parts):
    blk = 1000
    grid = N // blk
    return pl.pallas_call(
        _tc_scale_body,
        grid=(grid,),
        in_specs=[
            pl.BlockSpec((blk, D), lambda i: (i, 0)),
            pl.BlockSpec((D, D), lambda i: (0, 0)),
            pl.BlockSpec((NC, blk, 1), lambda i: (0, i, 0)),
        ],
        out_specs=[
            pl.BlockSpec((blk, D), lambda i: (i, 0)),
            pl.BlockSpec((blk, 1), lambda i: (i, 0)),
        ],
        out_shape=[
            jax.ShapeDtypeStruct((N, D), jnp.float32),
            jax.ShapeDtypeStruct((N, 1), jnp.float32),
        ],
    )(x, w, deg_parts)


def _tc_head_body(p_ref, y_ref, dinv_ref, x_ref, bg_ref,
                  w1_ref, b1_ref, w2_ref, b2_ref, w3_ref, b3_ref,
                  out_ref, acc_ref):
    i = pl.program_id(0)
    s = p_ref[0] + p_ref[1] + y_ref[...]
    t = jnp.maximum(s * dinv_ref[...] + bg_ref[...], 0.0) + x_ref[...]
    ps = jnp.sum(t, axis=0, keepdims=True)

    @pl.when(i == 0)
    def _():
        acc_ref[0:1, :] = ps

    @pl.when(i > 0)
    def _():
        acc_ref[0:1, :] = acc_ref[0:1, :] + ps

    @pl.when(i == pl.num_programs(0) - 1)
    def _():
        h = acc_ref[0:1, :]
        dg = lambda a, b: lax.dot_general(
            a, b, (((1,), (0,)), ((), ())),
            preferred_element_type=jnp.float32,
            precision=lax.Precision.HIGHEST)
        h1 = jnp.maximum(dg(h, w1_ref[...]) + b1_ref[...], 0.0)
        h2 = jnp.maximum(dg(h1, w2_ref[...]) + b2_ref[...], 0.0)
        out_ref[...] = dg(h2, w3_ref[...]) + b3_ref[...]


def _tc_head(parts, y, dinv, x, b_gcn, w1, b1, w2, b2, w3, b3):
    blk = 1000
    grid = N // blk
    return pl.pallas_call(
        _tc_head_body,
        grid=(grid,),
        in_specs=[
            pl.BlockSpec((NC, blk, D), lambda i: (0, i, 0)),
            pl.BlockSpec((blk, D), lambda i: (i, 0)),
            pl.BlockSpec((blk, 1), lambda i: (i, 0)),
            pl.BlockSpec((blk, D), lambda i: (i, 0)),
            pl.BlockSpec((1, D), lambda i: (0, 0)),
            pl.BlockSpec((D, MID), lambda i: (0, 0)),
            pl.BlockSpec((1, MID), lambda i: (0, 0)),
            pl.BlockSpec((MID, MID), lambda i: (0, 0)),
            pl.BlockSpec((1, MID), lambda i: (0, 0)),
            pl.BlockSpec((MID, 1), lambda i: (0, 0)),
            pl.BlockSpec((1, 1), lambda i: (0, 0)),
        ],
        out_specs=pl.BlockSpec((1, 1), lambda i: (0, 0)),
        out_shape=jax.ShapeDtypeStruct((1, 1), jnp.float32),
        scratch_shapes=[pltpu.VMEM((8, D), jnp.float32)],
    )(parts, y, dinv, x, b_gcn, w1, b1, w2, b2, w3, b3)


def kernel(x, edge_index, W_gcn, b_gcn, W1, b1, W2, b2, W3, b3):
    src = edge_index[0]
    dst = edge_index[1]
    ME = MROWS * C
    src_m = src[:ME].reshape(MROWS, C)
    dst_m = dst[:ME].reshape(MROWS, C)
    pad = EPAD - E
    ar = lax.iota(jnp.int32, pad)
    src_t = jnp.concatenate([src[ME:], ar % N]).reshape(TROWS, C)
    dst_t = jnp.concatenate([dst[ME:], N + (ar % 16)]).reshape(TROWS, C)

    zeros128 = jnp.zeros((C, D), jnp.float32)

    deg_parts = _sc_degree(dst_m, dst_t).reshape(NC, NPAD, 1)
    y, dinv = _tc_scale(x, W_gcn, deg_parts)
    parts = _sc_aggregate(y, src_m, src_t, dst_m, dst_t, zeros128)
    out = _tc_head(parts, y, dinv, x, b_gcn.reshape(1, D),
                   W1, b1.reshape(1, MID), W2, b2.reshape(1, MID),
                   W3, b3.reshape(1, 1))
    return out.reshape(1)

# --- scband reference (transcript-rebuilt; emitter-appended) ---
"""Pipeline reference for scband-gnncritic-46205258170762 (READ-ONLY COPY).

The authoritative reference and input builder live on the scoring server;
editing this copy changes nothing except your own understanding.
"""

import jax, jax.numpy as jnp
import numpy as np

N = 10000
E = 320000
D = 128
MID = 256


def setup_inputs(seed: int = 0) -> dict:
    key = jax.random.key(seed)
    ks = jax.random.split(key, 10)
    x = jax.random.normal(ks[0], (N, D), dtype=jnp.float32)
    edge_index = jax.random.randint(ks[1], (2, E), 0, N, dtype=jnp.int32)
    W_gcn = jax.random.normal(ks[2], (D, D), dtype=jnp.float32) / np.sqrt(D)
    b_gcn = jnp.zeros((D,), dtype=jnp.float32)
    W1 = jax.random.normal(ks[3], (D, MID), dtype=jnp.float32) / np.sqrt(D)
    b1 = jnp.zeros((MID,), dtype=jnp.float32)
    W2 = jax.random.normal(ks[4], (MID, MID), dtype=jnp.float32) / np.sqrt(MID)
    b2 = jnp.zeros((MID,), dtype=jnp.float32)
    W3 = jax.random.normal(ks[5], (MID, 1), dtype=jnp.float32) / np.sqrt(MID)
    b3 = jnp.zeros((1,), dtype=jnp.float32)
    return {"x": x, "edge_index": edge_index, "W_gcn": W_gcn, "b_gcn": b_gcn,
            "W1": W1, "b1": b1, "W2": W2, "b2": b2, "W3": W3, "b3": b3}


def reference(x, edge_index, W_gcn, b_gcn, W1, b1, W2, b2, W3, b3):
    # GCNConv with self-loops and symmetric normalization (PyG default)
    n = x.shape[0]
    src = edge_index[0]
    dst = edge_index[1]
    loop = jnp.arange(n, dtype=src.dtype)
    src = jnp.concatenate([src, loop])
    dst = jnp.concatenate([dst, loop])
    deg = jnp.zeros((n,), dtype=x.dtype).at[dst].add(1.0)
    dinv = jax.lax.rsqrt(jnp.maximum(deg, 1.0))
    norm = dinv[src] * dinv[dst]
    xw = x @ W_gcn
    msg = jnp.take(xw, src, axis=0) * norm[:, None]
    agg = jnp.zeros((n, xw.shape[1]), dtype=x.dtype).at[dst].add(msg) + b_gcn
    out = jax.nn.relu(agg)
    h = out + x
    h = jnp.sum(h, axis=0)
    h = jax.nn.relu(h @ W1 + b1)
    h = jax.nn.relu(h @ W2 + b2)
    h = h @ W3 + b3
    return h

if __name__ == "__main__":
    import jax
    _d = setup_inputs()
    print(jax.jit(kernel)(*tuple(_d.values())))

</pallas_src>

<mosaic_0001>
#map = affine_map<(d0, d1) -> (0, 0)>
#map1 = affine_map<(d0, d1) -> (0)>
module attributes {stable_mosaic.version = 14 : i64} {
  func.func @_sc_degree(%arg0: i32, %arg1: i32, %arg2: memref<2496x128xi32, #tpu.memory_space<hbm>>, %arg3: memref<64x128xi32, #tpu.memory_space<hbm>>, %arg4: memref<20224xf32, #tpu.memory_space<hbm>>, %arg5: memref<80x128xi32, #tpu.memory_space<vmem>>, %arg6: memref<128xf32, #tpu.memory_space<vmem>>, %arg7: memref<632xf32, #tpu.memory_space<vmem>>, %arg8: memref<!tpu.dma_semaphore, #tpu.memory_space<semaphore_mem>>, %arg9: memref<10112xf32, #tpu.memory_space<vmem_shared>>) attributes {dimension_semantics = [#tpu.dimension_semantics<core_parallel>, #tpu.dimension_semantics<subcore_parallel>], iteration_bounds = array<i64: 2, 16>, scalar_prefetch = 0 : i64, scratch_operands = 5 : i64, tpu.core_type = #tpu.core_type<sc_vector_subcore>, window_params = [{transform_indices = #map}, {transform_indices = #map}, {transform_indices = #map1}]} {
    %mul3A = arith.constant 2 : i32
    %mul3A_0 = arith.muli %arg1, %mul3A : i32
    %add3A = arith.addi %mul3A_0, %arg0 : i32
    %ne3A = arith.constant 31 : i32
    %ne3A_1 = arith.cmpi ne, %add3A, %ne3A : i32
    %convert_element_type3A = arith.extui %ne3A_1 : i1 to i32
    %cond3A = arith.constant 0 : i32
    %cond3A_2 = arith.cmpi ne, %convert_element_type3A, %cond3A : i32
    scf.if %cond3A_2 {
      %mul3A_43 = arith.constant 80 : i32
      %mul3A_44 = arith.muli %add3A, %mul3A_43 : i32
      "tpu.region"() ({
        %run_scoped3A = tpu.sem_alloc : memref<!tpu.dma_semaphore, #tpu.memory_space<semaphore_mem>>
        %dma_start3A = arith.constant 0 : i32
        %dma_start3A_45 = tpu.memref_slice %arg2[%mul3A_44, %dma_start3A] : memref<2496x128xi32, #tpu.memory_space<hbm>> -> memref<80x128xi32, #tpu.memory_space<hbm>>
        %dma_start3A_46 = arith.constant 0 : i32
        %dma_start3A_47 = tpu.memref_slice %arg2[%mul3A_44, %dma_start3A_46] : memref<2496x128xi32, #tpu.memory_space<hbm>> -> memref<80x128xi32, #tpu.memory_space<hbm>>
        tpu.enqueue_dma source(%dma_start3A_47 : memref<80x128xi32, #tpu.memory_space<hbm>>) target(%arg5 : memref<80x128xi32, #tpu.memory_space<vmem>>) target_semaphore(%run_scoped3A : memref<!tpu.dma_semaphore, #tpu.memory_space<semaphore_mem>>)
        %dma_wait3A = arith.constant 0 : i32
        %dma_wait3A_48 = tpu.memref_slice %arg2[%mul3A_44, %dma_wait3A] : memref<2496x128xi32, #tpu.memory_space<hbm>> -> memref<80x128xi32, #tpu.memory_space<hbm>>
        %dma_wait3A_49 = arith.constant 0 : i32
        %dma_wait3A_50 = tpu.memref_slice %arg2[%mul3A_44, %dma_wait3A_49] : memref<2496x128xi32, #tpu.memory_space<hbm>> -> memref<80x128xi32, #tpu.memory_space<hbm>>
        tpu.wait_dma2 semaphore(%run_scoped3A : memref<!tpu.dma_semaphore, #tpu.memory_space<semaphore_mem>>) src(%dma_wait3A_50 : memref<80x128xi32, #tpu.memory_space<hbm>>) dst(%arg5 : memref<80x128xi32, #tpu.memory_space<vmem>>)
        tpu.yield
      }) : () -> ()
    } else {
    }
    %eq3A = arith.constant 31 : i32
    %eq3A_3 = arith.cmpi eq, %add3A, %eq3A : i32
    %convert_element_type3A_4 = arith.extui %eq3A_3 : i1 to i32
    %cond3A_5 = arith.constant 0 : i32
    %cond3A_6 = arith.cmpi ne, %convert_element_type3A_4, %cond3A_5 : i32
    scf.if %cond3A_6 {
      "tpu.region"() ({
        %run_scoped3A = tpu.sem_alloc : memref<!tpu.dma_semaphore, #tpu.memory_space<semaphore_mem>>
        %dma_start3A = arith.constant 0 : i32
        %dma_start3A_43 = arith.constant 0 : i32
        %dma_start3A_44 = tpu.memref_slice %arg5[%dma_start3A, %dma_start3A_43] : memref<80x128xi32, #tpu.memory_space<vmem>> -> memref<16x128xi32, #tpu.memory_space<vmem>>
        %dma_start3A_45 = arith.constant 2480 : i32
        %dma_start3A_46 = arith.constant 0 : i32
        %dma_start3A_47 = tpu.memref_slice %arg2[%dma_start3A_45, %dma_start3A_46] : memref<2496x128xi32, #tpu.memory_space<hbm>> -> memref<16x128xi32, #tpu.memory_space<hbm>>
        %dma_start3A_48 = arith.constant 0 : i32
        %dma_start3A_49 = arith.constant 0 : i32
        %dma_start3A_50 = tpu.memref_slice %arg5[%dma_start3A_48, %dma_start3A_49] : memref<80x128xi32, #tpu.memory_space<vmem>> -> memref<16x128xi32, #tpu.memory_space<vmem>>
        %dma_start3A_51 = arith.constant 2480 : i32
        %dma_start3A_52 = arith.constant 0 : i32
        %dma_start3A_53 = tpu.memref_slice %arg2[%dma_start3A_51, %dma_start3A_52] : memref<2496x128xi32, #tpu.memory_space<hbm>> -> memref<16x128xi32, #tpu.memory_space<hbm>>
        tpu.enqueue_dma source(%dma_start3A_53 : memref<16x128xi32, #tpu.memory_space<hbm>>) target(%dma_start3A_50 : memref<16x128xi32, #tpu.memory_space<vmem>>) target_semaphore(%run_scoped3A : memref<!tpu.dma_semaphore, #tpu.memory_space<semaphore_mem>>)
        %dma_wait3A = arith.constant 0 : i32
        %dma_wait3A_54 = arith.constant 0 : i32
        %dma_wait3A_55 = tpu.memref_slice %arg5[%dma_wait3A, %dma_wait3A_54] : memref<80x128xi32, #tpu.memory_space<vmem>> -> memref<16x128xi32, #tpu.memory_space<vmem>>
        %dma_wait3A_56 = arith.constant 2480 : i32
        %dma_wait3A_57 = arith.constant 0 : i32
        %dma_wait3A_58 = tpu.memref_slice %arg2[%dma_wait3A_56, %dma_wait3A_57] : memref<2496x128xi32, #tpu.memory_space<hbm>> -> memref<16x128xi32, #tpu.memory_space<hbm>>
        %dma_wait3A_59 = arith.constant 0 : i32
        %dma_wait3A_60 = arith.constant 0 : i32
        %dma_wait3A_61 = tpu.memref_slice %arg5[%dma_wait3A_59, %dma_wait3A_60] : memref<80x128xi32, #tpu.memory_space<vmem>> -> memref<16x128xi32, #tpu.memory_space<vmem>>
        %dma_wait3A_62 = arith.constant 2480 : i32
        %dma_wait3A_63 = arith.constant 0 : i32
        %dma_wait3A_64 = tpu.memref_slice %arg2[%dma_wait3A_62, %dma_wait3A_63] : memref<2496x128xi32, #tpu.memory_space<hbm>> -> memref<16x128xi32, #tpu.memory_space<hbm>>
        tpu.wait_dma2 semaphore(%run_scoped3A : memref<!tpu.dma_semaphore, #tpu.memory_space<semaphore_mem>>) src(%dma_wait3A_64 : memref<16x128xi32, #tpu.memory_space<hbm>>) dst(%dma_wait3A_61 : memref<16x128xi32, #tpu.memory_space<vmem>>)
        tpu.yield
      }) : () -> ()
      "tpu.region"() ({
        %run_scoped3A = tpu.sem_alloc : memref<!tpu.dma_semaphore, #tpu.memory_space<semaphore_mem>>
        %dma_start3A = arith.constant 16 : i32
        %dma_start3A_43 = arith.constant 0 : i32
        %dma_start3A_44 = tpu.memref_slice %arg5[%dma_start3A, %dma_start3A_43] : memref<80x128xi32, #tpu.memory_space<vmem>> -> memref<64x128xi32, #tpu.memory_space<vmem>>
        %dma_start3A_45 = arith.constant 16 : i32
        %dma_start3A_46 = arith.constant 0 : i32
        %dma_start3A_47 = tpu.memref_slice %arg5[%dma_start3A_45, %dma_start3A_46] : memref<80x128xi32, #tpu.memory_space<vmem>> -> memref<64x128xi32, #tpu.memory_space<vmem>>
        tpu.enqueue_dma source(%arg3 : memref<64x128xi32, #tpu.memory_space<hbm>>) target(%dma_start3A_47 : memref<64x128xi32, #tpu.memory_space<vmem>>) target_semaphore(%run_scoped3A : memref<!tpu.dma_semaphore, #tpu.memory_space<semaphore_mem>>)
        %dma_wait3A = arith.constant 16 : i32
        %dma_wait3A_48 = arith.constant 0 : i32
        %dma_wait3A_49 = tpu.memref_slice %arg5[%dma_wait3A, %dma_wait3A_48] : memref<80x128xi32, #tpu.memory_space<vmem>> -> memref<64x128xi32, #tpu.memory_space<vmem>>
        %dma_wait3A_50 = arith.constant 16 : i32
        %dma_wait3A_51 = arith.constant 0 : i32
        %dma_wait3A_52 = tpu.memref_slice %arg5[%dma_wait3A_50, %dma_wait3A_51] : memref<80x128xi32, #tpu.memory_space<vmem>> -> memref<64x128xi32, #tpu.memory_space<vmem>>
        tpu.wait_dma2 semaphore(%run_scoped3A : memref<!tpu.dma_semaphore, #tpu.memory_space<semaphore_mem>>) src(%arg3 : memref<64x128xi32, #tpu.memory_space<hbm>>) dst(%dma_wait3A_52 : memref<64x128xi32, #tpu.memory_space<vmem>>)
        tpu.yield
      }) : () -> ()
    } else {
    }
    %broadcast_in_dim3A = arith.constant 1.000000e+00 : f32
    %broadcast_in_dim3A_7 = vector.broadcast %broadcast_in_dim3A : f32 to vector<16xf32>
    %broadcast_in_dim3A_8 = arith.constant 0.000000e+00 : f32
    %broadcast_in_dim3A_9 = vector.broadcast %broadcast_in_dim3A_8 : f32 to vector<16xf32>
    %scan3A = arith.constant 0 : i32
    %scan3A_10 = arith.constant 0 : i32
    %scan3A_11 = arith.constant 8 : i32
    %scan3A_12 = arith.addi %scan3A_10, %scan3A_11 : i32
    %scan3A_13 = arith.constant 1 : i32
    scf.for %scan3A_43 = %scan3A_10 to %scan3A_12 step %scan3A_13  : i32 {
      %mul3A_44 = arith.constant 16 : i32
      %mul3A_45 = arith.muli %scan3A_43, %mul3A_44 : i32
      %swap3A = arith.index_cast %mul3A_45 : i32 to index
      %swap3A_46 = tpu.vector_load %arg6[%swap3A] {strides = array<i32>} : memref<128xf32, #tpu.memory_space<vmem>>, vector<16xf32>,
      %swap3A_47 = vector.shape_cast %swap3A_46 : vector<16xf32> to vector<16xf32>
      %swap3A_48 = vector.shape_cast %broadcast_in_dim3A_7 : vector<16xf32> to vector<16xf32>
      tpu.vector_store %arg6[%swap3A], %swap3A_48 {strides = array<i32>} : memref<128xf32, #tpu.memory_space<vmem>>, vector<16xf32>,
    }
    %scan3A_14 = arith.constant 8 : i32
    %scan3A_15 = arith.constant 0 : i32
    %scan3A_16 = arith.constant 0 : i32
    %scan3A_17 = arith.constant 78 : i32
    %scan3A_18 = arith.addi %scan3A_16, %scan3A_17 : i32
    %scan3A_19 = arith.constant 1 : i32
    scf.for %scan3A_43 = %scan3A_16 to %scan3A_18 step %scan3A_19  : i32 {
      %mul3A_44 = arith.constant 8 : i32
      %mul3A_45 = arith.muli %scan3A_43, %mul3A_44 : i32
      %swap3A = arith.index_cast %mul3A_45 : i32 to index
      %swap3A_46 = tpu.vector_load %arg7[%swap3A] {strides = array<i32>} : memref<632xf32, #tpu.memory_space<vmem>>, vector<16xf32>,
      %swap3A_47 = vector.shape_cast %swap3A_46 : vector<16xf32> to vector<16xf32>
      %swap3A_48 = vector.shape_cast %broadcast_in_dim3A_9 : vector<16xf32> to vector<16xf32>
      tpu.vector_store %arg7[%swap3A], %swap3A_48 {strides = array<i32>} : memref<632xf32, #tpu.memory_space<vmem>>, vector<16xf32>,
    }
    %scan3A_20 = arith.constant 78 : i32
    %mul3A_21 = arith.constant 632 : i32
    %mul3A_22 = arith.muli %arg1, %mul3A_21 : i32
    "tpu.region"() ({
      %run_scoped3A = tpu.sem_alloc : memref<!tpu.dma_semaphore, #tpu.memory_space<semaphore_mem>>
      %dma_start3A = tpu.memref_slice %arg9[%mul3A_22] : memref<10112xf32, #tpu.memory_space<vmem_shared>> -> memref<632xf32, #tpu.memory_space<vmem_shared>>
      %dma_start3A_43 = tpu.memref_slice %arg9[%mul3A_22] : memref<10112xf32, #tpu.memory_space<vmem_shared>> -> memref<632xf32, #tpu.memory_space<vmem_shared>>
      tpu.enqueue_dma source(%arg7 : memref<632xf32, #tpu.memory_space<vmem>>) target(%dma_start3A_43 : memref<632xf32, #tpu.memory_space<vmem_shared>>) target_semaphore(%run_scoped3A : memref<!tpu.dma_semaphore, #tpu.memory_space<semaphore_mem>>)
      %dma_wait3A = tpu.memref_slice %arg9[%mul3A_22] : memref<10112xf32, #tpu.memory_space<vmem_shared>> -> memref<632xf32, #tpu.memory_space<vmem_shared>>
      %dma_wait3A_44 = tpu.memref_slice %arg9[%mul3A_22] : memref<10112xf32, #tpu.memory_space<vmem_shared>> -> memref<632xf32, #tpu.memory_space<vmem_shared>>
      tpu.wait_dma2 semaphore(%run_scoped3A : memref<!tpu.dma_semaphore, #tpu.memory_space<semaphore_mem>>) src(%arg7 : memref<632xf32, #tpu.memory_space<vmem>>) dst(%dma_wait3A_44 : memref<632xf32, #tpu.memory_space<vmem_shared>>)
      tpu.yield
    }) : () -> ()
    %barrier3A = arith.constant 0 : index
    tpu.barrier barrier_id(%barrier3A)
    %scan3A_23 = arith.constant 0 : i32
    %scan3A_24 = arith.constant 0 : i32
    %scan3A_25 = arith.constant 80 : i32
    %scan3A_26 = arith.addi %scan3A_24, %scan3A_25 : i32
    %scan3A_27 = arith.constant 1 : i32
    scf.for %scan3A_43 = %scan3A_24 to %scan3A_26 step %scan3A_27  : i32 {
      %dma_start3A = arith.constant 0 : i32
      %dma_start3A_44 = tpu.memref_slice %arg5[%scan3A_43, %dma_start3A] : memref<80x128xi32, #tpu.memory_space<vmem>> -> memref<1x128xi32, #tpu.memory_space<vmem>>
      %dma_start3A_45 = tpu.memref_squeeze %dma_start3A_44 : memref<1x128xi32, #tpu.memory_space<vmem>> -> memref<128xi32, #tpu.memory_space<vmem>>
      %dma_start3A_46 = arith.constant 0 : i32
      %dma_start3A_47 = tpu.memref_slice %arg9[%dma_start3A_46] : memref<10112xf32, #tpu.memory_space<vmem_shared>> -> memref<10112xf32, #tpu.memory_space<vmem_shared>>
      tpu.enqueue_indirect_dma source(%arg6 : memref<128xf32, #tpu.memory_space<vmem>>) target(%dma_start3A_47 : memref<10112xf32, #tpu.memory_space<vmem_shared>>) offsets(%dma_start3A_45 : memref<128xi32, #tpu.memory_space<vmem>>) semaphore(%arg8 : memref<!tpu.dma_semaphore, #tpu.memory_space<semaphore_mem>>) {add = true}
    }
    %scan3A_28 = arith.constant 80 : i32
    %scan3A_29 = arith.constant 0 : i32
    %scan3A_30 = arith.constant 0 : i32
    %scan3A_31 = arith.constant 80 : i32
    %scan3A_32 = arith.addi %scan3A_30, %scan3A_31 : i32
    %scan3A_33 = arith.constant 1 : i32
    scf.for %scan3A_43 = %scan3A_30 to %scan3A_32 step %scan3A_33  : i32 {
      %dma_wait3A = arith.constant 0 : i32
      %dma_wait3A_44 = arith.constant 0 : i32
      %dma_wait3A_45 = tpu.memref_slice %arg5[%dma_wait3A, %dma_wait3A_44] : memref<80x128xi32, #tpu.memory_space<vmem>> -> memref<1x128xi32, #tpu.memory_space<vmem>>
      %dma_wait3A_46 = tpu.memref_squeeze %dma_wait3A_45 : memref<1x128xi32, #tpu.memory_space<vmem>> -> memref<128xi32, #tpu.memory_space<vmem>>
      %dma_wait3A_47 = arith.constant 0 : i32
      %dma_wait3A_48 = tpu.memref_slice %arg9[%dma_wait3A_47] : memref<10112xf32, #tpu.memory_space<vmem_shared>> -> memref<10112xf32, #tpu.memory_space<vmem_shared>>
      tpu.wait_indirect_dma semaphore(%arg8 : memref<!tpu.dma_semaphore, #tpu.memory_space<semaphore_mem>>) src(%arg6 : memref<128xf32, #tpu.memory_space<vmem>>) dst(%dma_wait3A_48 : memref<10112xf32, #tpu.memory_space<vmem_shared>>)
    }
    %scan3A_34 = arith.constant 80 : i32
    %barrier3A_35 = arith.constant 0 : index
    tpu.barrier barrier_id(%barrier3A_35)
    %mul3A_36 = arith.constant 632 : i32
    %mul3A_37 = arith.muli %arg1, %mul3A_36 : i32
    "tpu.region"() ({
      %run_scoped3A = tpu.sem_alloc : memref<!tpu.dma_semaphore, #tpu.memory_space<semaphore_mem>>
      %dma_start3A = tpu.memref_slice %arg9[%mul3A_37] : memref<10112xf32, #tpu.memory_space<vmem_shared>> -> memref<632xf32, #tpu.memory_space<vmem_shared>>
      %dma_start3A_43 = tpu.memref_slice %arg9[%mul3A_37] : memref<10112xf32, #tpu.memory_space<vmem_shared>> -> memref<632xf32, #tpu.memory_space<vmem_shared>>
      tpu.enqueue_dma source(%dma_start3A_43 : memref<632xf32, #tpu.memory_space<vmem_shared>>) target(%arg7 : memref<632xf32, #tpu.memory_space<vmem>>) target_semaphore(%run_scoped3A : memref<!tpu.dma_semaphore, #tpu.memory_space<semaphore_mem>>)
      %dma_wait3A = tpu.memref_slice %arg9[%mul3A_37] : memref<10112xf32, #tpu.memory_space<vmem_shared>> -> memref<632xf32, #tpu.memory_space<vmem_shared>>
      %dma_wait3A_44 = tpu.memref_slice %arg9[%mul3A_37] : memref<10112xf32, #tpu.memory_space<vmem_shared>> -> memref<632xf32, #tpu.memory_space<vmem_shared>>
      tpu.wait_dma2 semaphore(%run_scoped3A : memref<!tpu.dma_semaphore, #tpu.memory_space<semaphore_mem>>) src(%dma_wait3A_44 : memref<632xf32, #tpu.memory_space<vmem_shared>>) dst(%arg7 : memref<632xf32, #tpu.memory_space<vmem>>)
      tpu.yield
    }) : () -> ()
    %mul3A_38 = arith.constant 10112 : i32
    %mul3A_39 = arith.muli %arg0, %mul3A_38 : i32
    %mul3A_40 = arith.constant 632 : i32
    %mul3A_41 = arith.muli %arg1, %mul3A_40 : i32
    %add3A_42 = arith.addi %mul3A_39, %mul3A_41 : i32
    "tpu.region"() ({
      %run_scoped3A = tpu.sem_alloc : memref<!tpu.dma_semaphore, #tpu.memory_space<semaphore_mem>>
      %dma_start3A = tpu.memref_slice %arg4[%add3A_42] : memref<20224xf32, #tpu.memory_space<hbm>> -> memref<632xf32, #tpu.memory_space<hbm>>
      %dma_start3A_43 = tpu.memref_slice %arg4[%add3A_42] : memref<20224xf32, #tpu.memory_space<hbm>> -> memref<632xf32, #tpu.memory_space<hbm>>
      tpu.enqueue_dma source(%arg7 : memref<632xf32, #tpu.memory_space<vmem>>) target(%dma_start3A_43 : memref<632xf32, #tpu.memory_space<hbm>>) target_semaphore(%run_scoped3A : memref<!tpu.dma_semaphore, #tpu.memory_space<semaphore_mem>>)
      %dma_wait3A = tpu.memref_slice %arg4[%add3A_42] : memref<20224xf32, #tpu.memory_space<hbm>> -> memref<632xf32, #tpu.memory_space<hbm>>
      %dma_wait3A_44 = tpu.memref_slice %arg4[%add3A_42] : memref<20224xf32, #tpu.memory_space<hbm>> -> memref<632xf32, #tpu.memory_space<hbm>>
      tpu.wait_dma2 semaphore(%run_scoped3A : memref<!tpu.dma_semaphore, #tpu.memory_space<semaphore_mem>>) src(%arg7 : memref<632xf32, #tpu.memory_space<vmem>>) dst(%dma_wait3A_44 : memref<632xf32, #tpu.memory_space<hbm>>)
      tpu.yield
    }) : () -> ()
    return
  }
}

#map = affine_map<(d0, d1) -> (0, 0)>
#map1 = affine_map<(d0, d1) -> (0, 0, 0)>
module attributes {stable_mosaic.version = 14 : i64} {
  func.func @_sc_aggregate(%arg0: i32, %arg1: i32, %arg2: memref<10000x128xf32, #tpu.memory_space<hbm>>, %arg3: memref<2496x128xi32, #tpu.memory_space<hbm>>, %arg4: memref<64x128xi32, #tpu.memory_space<hbm>>, %arg5: memref<2496x128xi32, #tpu.memory_space<hbm>>, %arg6: memref<64x128xi32, #tpu.memory_space<hbm>>, %arg7: memref<128x128xf32, #tpu.memory_space<hbm>>, %arg8: memref<2x10112x128xf32, #tpu.memory_space<hbm>>, %arg9: memref<40x128xi32, #tpu.memory_space<vmem>>, %arg10: memref<40x128xi32, #tpu.memory_space<vmem>>, %arg11: memref<128x128xf32, #tpu.memory_space<vmem>>, %arg12: memref<128x128xf32, #tpu.memory_space<vmem>>, %arg13: memref<!tpu.dma_semaphore, #tpu.memory_space<semaphore_mem>>, %arg14: memref<!tpu.dma_semaphore, #tpu.memory_space<semaphore_mem>>, %arg15: memref<10112x128xf32, #tpu.memory_space<vmem_shared>>) attributes {dimension_semantics = [#tpu.dimension_semantics<core_parallel>, #tpu.dimension_semantics<subcore_parallel>], iteration_bounds = array<i64: 2, 16>, scalar_prefetch = 0 : i64, scratch_operands = 7 : i64, tpu.core_type = #tpu.core_type<sc_vector_subcore>, window_params = [{transform_indices = #map}, {transform_indices = #map}, {transform_indices = #map}, {transform_indices = #map}, {transform_indices = #map}, {transform_indices = #map}, {transform_indices = #map1}]} {
    %mul3A = arith.constant 2 : i32
    %mul3A_0 = arith.muli %arg1, %mul3A : i32
    %add3A = arith.addi %mul3A_0, %arg0 : i32
    "tpu.region"() ({
      %run_scoped3A_114 = tpu.sem_alloc : memref<!tpu.dma_semaphore, #tpu.memory_space<semaphore_mem>>
      tpu.enqueue_dma source(%arg7 : memref<128x128xf32, #tpu.memory_space<hbm>>) target(%arg11 : memref<128x128xf32, #tpu.memory_space<vmem>>) target_semaphore(%run_scoped3A_114 : memref<!tpu.dma_semaphore, #tpu.memory_space<semaphore_mem>>)
      tpu.wait_dma2 semaphore(%run_scoped3A_114 : memref<!tpu.dma_semaphore, #tpu.memory_space<semaphore_mem>>) src(%arg7 : memref<128x128xf32, #tpu.memory_space<hbm>>) dst(%arg11 : memref<128x128xf32, #tpu.memory_space<vmem>>)
      tpu.yield
    }) : () -> ()
    %mul3A_1 = arith.constant 632 : i32
    %mul3A_2 = arith.muli %arg1, %mul3A_1 : i32
    %scan3A = arith.constant 0 : i32
    %scan3A_3 = arith.constant 0 : i32
    %scan3A_4 = arith.constant 4 : i32
    %scan3A_5 = arith.addi %scan3A_3, %scan3A_4 : i32
    %scan3A_6 = arith.constant 1 : i32
    scf.for %scan3A_114 = %scan3A_3 to %scan3A_5 step %scan3A_6  : i32 {
      %mul3A_115 = arith.constant 128 : i32
      %mul3A_116 = arith.muli %scan3A_114, %mul3A_115 : i32
      %add3A_117 = arith.addi %mul3A_2, %mul3A_116 : i32
      "tpu.region"() ({
        %run_scoped3A_118 = tpu.sem_alloc : memref<!tpu.dma_semaphore, #tpu.memory_space<semaphore_mem>>
        %dma_start3A_119 = arith.constant 0 : i32
        %dma_start3A_120 = tpu.memref_slice %arg15[%add3A_117, %dma_start3A_119] : memref<10112x128xf32, #tpu.memory_space<vmem_shared>> -> memref<128x128xf32, #tpu.memory_space<vmem_shared>>
        %dma_start3A_121 = arith.constant 0 : i32
        %dma_start3A_122 = tpu.memref_slice %arg15[%add3A_117, %dma_start3A_121] : memref<10112x128xf32, #tpu.memory_space<vmem_shared>> -> memref<128x128xf32, #tpu.memory_space<vmem_shared>>
        tpu.enqueue_dma source(%arg11 : memref<128x128xf32, #tpu.memory_space<vmem>>) target(%dma_start3A_122 : memref<128x128xf32, #tpu.memory_space<vmem_shared>>) target_semaphore(%run_scoped3A_118 : memref<!tpu.dma_semaphore, #tpu.memory_space<semaphore_mem>>)
        %dma_wait3A_123 = arith.constant 0 : i32
        %dma_wait3A_124 = tpu.memref_slice %arg15[%add3A_117, %dma_wait3A_123] : memref<10112x128xf32, #tpu.memory_space<vmem_shared>> -> memref<128x128xf32, #tpu.memory_space<vmem_shared>>
        %dma_wait3A_125 = arith.constant 0 : i32
        %dma_wait3A_126 = tpu.memref_slice %arg15[%add3A_117, %dma_wait3A_125] : memref<10112x128xf32, #tpu.memory_space<vmem_shared>> -> memref<128x128xf32, #tpu.memory_space<vmem_shared>>
        tpu.wait_dma2 semaphore(%run_scoped3A_118 : memref<!tpu.dma_semaphore, #tpu.memory_space<semaphore_mem>>) src(%arg11 : memref<128x128xf32, #tpu.memory_space<vmem>>) dst(%dma_wait3A_126 : memref<128x128xf32, #tpu.memory_space<vmem_shared>>)
        tpu.yield
      }) : () -> ()
    }
    %scan3A_7 = arith.constant 4 : i32
    %add3A_8 = arith.constant 512 : i32
    %add3A_9 = arith.addi %mul3A_2, %add3A_8 : i32
    "tpu.region"() ({
      %run_scoped3A_114 = tpu.sem_alloc : memref<!tpu.dma_semaphore, #tpu.memory_space<semaphore_mem>>
      %dma_start3A_115 = arith.constant 0 : i32
      %dma_start3A_116 = arith.constant 0 : i32
      %dma_start3A_117 = tpu.memref_slice %arg11[%dma_start3A_115, %dma_start3A_116] : memref<128x128xf32, #tpu.memory_space<vmem>> -> memref<120x128xf32, #tpu.memory_space<vmem>>
      %dma_start3A_118 = arith.constant 0 : i32
      %dma_start3A_119 = tpu.memref_slice %arg15[%add3A_9, %dma_start3A_118] : memref<10112x128xf32, #tpu.memory_space<vmem_shared>> -> memref<120x128xf32, #tpu.memory_space<vmem_shared>>
      %dma_start3A_120 = arith.constant 0 : i32
      %dma_start3A_121 = tpu.memref_slice %arg15[%add3A_9, %dma_start3A_120] : memref<10112x128xf32, #tpu.memory_space<vmem_shared>> -> memref<120x128xf32, #tpu.memory_space<vmem_shared>>
      %dma_start3A_122 = arith.constant 0 : i32
      %dma_start3A_123 = arith.constant 0 : i32
      %dma_start3A_124 = tpu.memref_slice %arg11[%dma_start3A_122, %dma_start3A_123] : memref<128x128xf32, #tpu.memory_space<vmem>> -> memref<120x128xf32, #tpu.memory_space<vmem>>
      tpu.enqueue_dma source(%dma_start3A_124 : memref<120x128xf32, #tpu.memory_space<vmem>>) target(%dma_start3A_121 : memref<120x128xf32, #tpu.memory_space<vmem_shared>>) target_semaphore(%run_scoped3A_114 : memref<!tpu.dma_semaphore, #tpu.memory_space<semaphore_mem>>)
      %dma_wait3A_125 = arith.constant 0 : i32
      %dma_wait3A_126 = arith.constant 0 : i32
      %dma_wait3A_127 = tpu.memref_slice %arg11[%dma_wait3A_125, %dma_wait3A_126] : memref<128x128xf32, #tpu.memory_space<vmem>> -> memref<120x128xf32, #tpu.memory_space<vmem>>
      %dma_wait3A_128 = arith.constant 0 : i32
      %dma_wait3A_129 = tpu.memref_slice %arg15[%add3A_9, %dma_wait3A_128] : memref<10112x128xf32, #tpu.memory_space<vmem_shared>> -> memref<120x128xf32, #tpu.memory_space<vmem_shared>>
      %dma_wait3A_130 = arith.constant 0 : i32
      %dma_wait3A_131 = tpu.memref_slice %arg15[%add3A_9, %dma_wait3A_130] : memref<10112x128xf32, #tpu.memory_space<vmem_shared>> -> memref<120x128xf32, #tpu.memory_space<vmem_shared>>
      %dma_wait3A_132 = arith.constant 0 : i32
      %dma_wait3A_133 = arith.constant 0 : i32
      %dma_wait3A_134 = tpu.memref_slice %arg11[%dma_wait3A_132, %dma_wait3A_133] : memref<128x128xf32, #tpu.memory_space<vmem>> -> memref<120x128xf32, #tpu.memory_space<vmem>>
      tpu.wait_dma2 semaphore(%run_scoped3A_114 : memref<!tpu.dma_semaphore, #tpu.memory_space<semaphore_mem>>) src(%dma_wait3A_134 : memref<120x128xf32, #tpu.memory_space<vmem>>) dst(%dma_wait3A_131 : memref<120x128xf32, #tpu.memory_space<vmem_shared>>)
      tpu.yield
    }) : () -> ()
    %barrier3A = arith.constant 0 : index
    tpu.barrier barrier_id(%barrier3A)
    %mul3A_10 = arith.constant 80 : i32
    %mul3A_11 = arith.muli %add3A, %mul3A_10 : i32
    %add3A_12 = arith.constant 0 : i32
    %add3A_13 = arith.addi %mul3A_11, %add3A_12 : i32
    %ne3A = arith.constant 31 : i32
    %ne3A_14 = arith.cmpi ne, %add3A, %ne3A : i32
    %convert_element_type3A = arith.extui %ne3A_14 : i1 to i32
    %cond3A = arith.constant 0 : i32
    %cond3A_15 = arith.cmpi ne, %convert_element_type3A, %cond3A : i32
    scf.if %cond3A_15 {
      "tpu.region"() ({
        %run_scoped3A_114 = tpu.sem_alloc : memref<!tpu.dma_semaphore, #tpu.memory_space<semaphore_mem>>
        %dma_start3A_115 = arith.constant 0 : i32
        %dma_start3A_116 = tpu.memref_slice %arg3[%add3A_13, %dma_start3A_115] : memref<2496x128xi32, #tpu.memory_space<hbm>> -> memref<40x128xi32, #tpu.memory_space<hbm>>
        %dma_start3A_117 = arith.constant 0 : i32
        %dma_start3A_118 = tpu.memref_slice %arg3[%add3A_13, %dma_start3A_117] : memref<2496x128xi32, #tpu.memory_space<hbm>> -> memref<40x128xi32, #tpu.memory_space<hbm>>
        tpu.enqueue_dma source(%dma_start3A_118 : memref<40x128xi32, #tpu.memory_space<hbm>>) target(%arg9 : memref<40x128xi32, #tpu.memory_space<vmem>>) target_semaphore(%run_scoped3A_114 : memref<!tpu.dma_semaphore, #tpu.memory_space<semaphore_mem>>)
        %dma_wait3A_119 = arith.constant 0 : i32
        %dma_wait3A_120 = tpu.memref_slice %arg3[%add3A_13, %dma_wait3A_119] : memref<2496x128xi32, #tpu.memory_space<hbm>> -> memref<40x128xi32, #tpu.memory_space<hbm>>
        %dma_wait3A_121 = arith.constant 0 : i32
        %dma_wait3A_122 = tpu.memref_slice %arg3[%add3A_13, %dma_wait3A_121] : memref<2496x128xi32, #tpu.memory_space<hbm>> -> memref<40x128xi32, #tpu.memory_space<hbm>>
        tpu.wait_dma2 semaphore(%run_scoped3A_114 : memref<!tpu.dma_semaphore, #tpu.memory_space<semaphore_mem>>) src(%dma_wait3A_122 : memref<40x128xi32, #tpu.memory_space<hbm>>) dst(%arg9 : memref<40x128xi32, #tpu.memory_space<vmem>>)
        tpu.yield
      }) : () -> ()
      "tpu.region"() ({
        %run_scoped3A_114 = tpu.sem_alloc : memref<!tpu.dma_semaphore, #tpu.memory_space<semaphore_mem>>
        %dma_start3A_115 = arith.constant 0 : i32
        %dma_start3A_116 = tpu.memref_slice %arg5[%add3A_13, %dma_start3A_115] : memref<2496x128xi32, #tpu.memory_space<hbm>> -> memref<40x128xi32, #tpu.memory_space<hbm>>
        %dma_start3A_117 = arith.constant 0 : i32
        %dma_start3A_118 = tpu.memref_slice %arg5[%add3A_13, %dma_start3A_117] : memref<2496x128xi32, #tpu.memory_space<hbm>> -> memref<40x128xi32, #tpu.memory_space<hbm>>
        tpu.enqueue_dma source(%dma_start3A_118 : memref<40x128xi32, #tpu.memory_space<hbm>>) target(%arg10 : memref<40x128xi32, #tpu.memory_space<vmem>>) target_semaphore(%run_scoped3A_114 : memref<!tpu.dma_semaphore, #tpu.memory_space<semaphore_mem>>)
        %dma_wait3A_119 = arith.constant 0 : i32
        %dma_wait3A_120 = tpu.memref_slice %arg5[%add3A_13, %dma_wait3A_119] : memref<2496x128xi32, #tpu.memory_space<hbm>> -> memref<40x128xi32, #tpu.memory_space<hbm>>
        %dma_wait3A_121 = arith.constant 0 : i32
        %dma_wait3A_122 = tpu.memref_slice %arg5[%add3A_13, %dma_wait3A_121] : memref<2496x128xi32, #tpu.memory_space<hbm>> -> memref<40x128xi32, #tpu.memory_space<hbm>>
        tpu.wait_dma2 semaphore(%run_scoped3A_114 : memref<!tpu.dma_semaphore, #tpu.memory_space<semaphore_mem>>) src(%dma_wait3A_122 : memref<40x128xi32, #tpu.memory_space<hbm>>) dst(%arg10 : memref<40x128xi32, #tpu.memory_space<vmem>>)
        tpu.yield
      }) : () -> ()
    } else {
    }
    %eq3A = arith.constant 31 : i32
    %eq3A_16 = arith.cmpi eq, %add3A, %eq3A : i32
    %convert_element_type3A_17 = arith.extui %eq3A_16 : i1 to i32
    %cond3A_18 = arith.constant 0 : i32
    %cond3A_19 = arith.cmpi ne, %convert_element_type3A_17, %cond3A_18 : i32
    scf.if %cond3A_19 {
      "tpu.region"() ({
        %run_scoped3A_114 = tpu.sem_alloc : memref<!tpu.dma_semaphore, #tpu.memory_space<semaphore_mem>>
        %dma_start3A_115 = arith.constant 0 : i32
        %dma_start3A_116 = arith.constant 0 : i32
        %dma_start3A_117 = tpu.memref_slice %arg9[%dma_start3A_115, %dma_start3A_116] : memref<40x128xi32, #tpu.memory_space<vmem>> -> memref<16x128xi32, #tpu.memory_space<vmem>>
        %dma_start3A_118 = arith.constant 2480 : i32
        %dma_start3A_119 = arith.constant 0 : i32
        %dma_start3A_120 = tpu.memref_slice %arg3[%dma_start3A_118, %dma_start3A_119] : memref<2496x128xi32, #tpu.memory_space<hbm>> -> memref<16x128xi32, #tpu.memory_space<hbm>>
        %dma_start3A_121 = arith.constant 0 : i32
        %dma_start3A_122 = arith.constant 0 : i32
        %dma_start3A_123 = tpu.memref_slice %arg9[%dma_start3A_121, %dma_start3A_122] : memref<40x128xi32, #tpu.memory_space<vmem>> -> memref<16x128xi32, #tpu.memory_space<vmem>>
        %dma_start3A_124 = arith.constant 2480 : i32
        %dma_start3A_125 = arith.constant 0 : i32
        %dma_start3A_126 = tpu.memref_slice %arg3[%dma_start3A_124, %dma_start3A_125] : memref<2496x128xi32, #tpu.memory_space<hbm>> -> memref<16x128xi32, #tpu.memory_space<hbm>>
        tpu.enqueue_dma source(%dma_start3A_126 : memref<16x128xi32, #tpu.memory_space<hbm>>) target(%dma_start3A_123 : memref<16x128xi32, #tpu.memory_space<vmem>>) target_semaphore(%run_scoped3A_114 : memref<!tpu.dma_semaphore, #tpu.memory_space<semaphore_mem>>)
        %dma_wait3A_127 = arith.constant 0 : i32
        %dma_wait3A_128 = arith.constant 0 : i32
        %dma_wait3A_129 = tpu.memref_slice %arg9[%dma_wait3A_127, %dma_wait3A_128] : memref<40x128xi32, #tpu.memory_space<vmem>> -> memref<16x128xi32, #tpu.memory_space<vmem>>
        %dma_wait3A_130 = arith.constant 2480 : i32
        %dma_wait3A_131 = arith.constant 0 : i32
        %dma_wait3A_132 = tpu.memref_slice %arg3[%dma_wait3A_130, %dma_wait3A_131] : memref<2496x128xi32, #tpu.memory_space<hbm>> -> memref<16x128xi32, #tpu.memory_space<hbm>>
        %dma_wait3A_133 = arith.constant 0 : i32
        %dma_wait3A_134 = arith.constant 0 : i32
        %dma_wait3A_135 = tpu.memref_slice %arg9[%dma_wait3A_133, %dma_wait3A_134] : memref<40x128xi32, #tpu.memory_space<vmem>> -> memref<16x128xi32, #tpu.memory_space<vmem>>
        %dma_wait3A_136 = arith.constant 2480 : i32
        %dma_wait3A_137 = arith.constant 0 : i32
        %dma_wait3A_138 = tpu.memref_slice %arg3[%dma_wait3A_136, %dma_wait3A_137] : memref<2496x128xi32, #tpu.memory_space<hbm>> -> memref<16x128xi32, #tpu.memory_space<hbm>>
        tpu.wait_dma2 semaphore(%run_scoped3A_114 : memref<!tpu.dma_semaphore, #tpu.memory_space<semaphore_mem>>) src(%dma_wait3A_138 : memref<16x128xi32, #tpu.memory_space<hbm>>) dst(%dma_wait3A_135 : memref<16x128xi32, #tpu.memory_space<vmem>>)
        tpu.yield
      }) : () -> ()
      "tpu.region"() ({
        %run_scoped3A_114 = tpu.sem_alloc : memref<!tpu.dma_semaphore, #tpu.memory_space<semaphore_mem>>
        %dma_start3A_115 = arith.constant 16 : i32
        %dma_start3A_116 = arith.constant 0 : i32
        %dma_start3A_117 = tpu.memref_slice %arg9[%dma_start3A_115, %dma_start3A_116] : memref<40x128xi32, #tpu.memory_space<vmem>> -> memref<24x128xi32, #tpu.memory_space<vmem>>
        %dma_start3A_118 = arith.constant 0 : i32
        %dma_start3A_119 = arith.constant 0 : i32
        %dma_start3A_120 = tpu.memref_slice %arg4[%dma_start3A_118, %dma_start3A_119] : memref<64x128xi32, #tpu.memory_space<hbm>> -> memref<24x128xi32, #tpu.memory_space<hbm>>
        %dma_start3A_121 = arith.constant 16 : i32
        %dma_start3A_122 = arith.constant 0 : i32
        %dma_start3A_123 = tpu.memref_slice %arg9[%dma_start3A_121, %dma_start3A_122] : memref<40x128xi32, #tpu.memory_space<vmem>> -> memref<24x128xi32, #tpu.memory_space<vmem>>
        %dma_start3A_124 = arith.constant 0 : i32
        %dma_start3A_125 = arith.constant 0 : i32
        %dma_start3A_126 = tpu.memref_slice %arg4[%dma_start3A_124, %dma_start3A_125] : memref<64x128xi32, #tpu.memory_space<hbm>> -> memref<24x128xi32, #tpu.memory_space<hbm>>
        tpu.enqueue_dma source(%dma_start3A_126 : memref<24x128xi32, #tpu.memory_space<hbm>>) target(%dma_start3A_123 : memref<24x128xi32, #tpu.memory_space<vmem>>) target_semaphore(%run_scoped3A_114 : memref<!tpu.dma_semaphore, #tpu.memory_space<semaphore_mem>>)
        %dma_wait3A_127 = arith.constant 16 : i32
        %dma_wait3A_128 = arith.constant 0 : i32
        %dma_wait3A_129 = tpu.memref_slice %arg9[%dma_wait3A_127, %dma_wait3A_128] : memref<40x128xi32, #tpu.memory_space<vmem>> -> memref<24x128xi32, #tpu.memory_space<vmem>>
        %dma_wait3A_130 = arith.constant 0 : i32
        %dma_wait3A_131 = arith.constant 0 : i32
        %dma_wait3A_132 = tpu.memref_slice %arg4[%dma_wait3A_130, %dma_wait3A_131] : memref<64x128xi32, #tpu.memory_space<hbm>> -> memref<24x128xi32, #tpu.memory_space<hbm>>
        %dma_wait3A_133 = arith.constant 16 : i32
        %dma_wait3A_134 = arith.constant 0 : i32
        %dma_wait3A_135 = tpu.memref_slice %arg9[%dma_wait3A_133, %dma_wait3A_134] : memref<40x128xi32, #tpu.memory_space<vmem>> -> memref<24x128xi32, #tpu.memory_space<vmem>>
        %dma_wait3A_136 = arith.constant 0 : i32
        %dma_wait3A_137 = arith.constant 0 : i32
        %dma_wait3A_138 = tpu.memref_slice %arg4[%dma_wait3A_136, %dma_wait3A_137] : memref<64x128xi32, #tpu.memory_space<hbm>> -> memref<24x128xi32, #tpu.memory_space<hbm>>
        tpu.wait_dma2 semaphore(%run_scoped3A_114 : memref<!tpu.dma_semaphore, #tpu.memory_space<semaphore_mem>>) src(%dma_wait3A_138 : memref<24x128xi32, #tpu.memory_space<hbm>>) dst(%dma_wait3A_135 : memref<24x128xi32, #tpu.memory_space<vmem>>)
        tpu.yield
      }) : () -> ()
      "tpu.region"() ({
        %run_scoped3A_114 = tpu.sem_alloc : memref<!tpu.dma_semaphore, #tpu.memory_space<semaphore_mem>>
        %dma_start3A_115 = arith.constant 0 : i32
        %dma_start3A_116 = arith.constant 0 : i32
        %dma_start3A_117 = tpu.memref_slice %arg10[%dma_start3A_115, %dma_start3A_116] : memref<40x128xi32, #tpu.memory_space<vmem>> -> memref<16x128xi32, #tpu.memory_space<vmem>>
        %dma_start3A_118 = arith.constant 2480 : i32
        %dma_start3A_119 = arith.constant 0 : i32
        %dma_start3A_120 = tpu.memref_slice %arg5[%dma_start3A_118, %dma_start3A_119] : memref<2496x128xi32, #tpu.memory_space<hbm>> -> memref<16x128xi32, #tpu.memory_space<hbm>>
        %dma_start3A_121 = arith.constant 0 : i32
        %dma_start3A_122 = arith.constant 0 : i32
        %dma_start3A_123 = tpu.memref_slice %arg10[%dma_start3A_121, %dma_start3A_122] : memref<40x128xi32, #tpu.memory_space<vmem>> -> memref<16x128xi32, #tpu.memory_space<vmem>>
        %dma_start3A_124 = arith.constant 2480 : i32
        %dma_start3A_125 = arith.constant 0 : i32
        %dma_start3A_126 = tpu.memref_slice %arg5[%dma_start3A_124, %dma_start3A_125] : memref<2496x128xi32, #tpu.memory_space<hbm>> -> memref<16x128xi32, #tpu.memory_space<hbm>>
        tpu.enqueue_dma source(%dma_start3A_126 : memref<16x128xi32, #tpu.memory_space<hbm>>) target(%dma_start3A_123 : memref<16x128xi32, #tpu.memory_space<vmem>>) target_semaphore(%run_scoped3A_114 : memref<!tpu.dma_semaphore, #tpu.memory_space<semaphore_mem>>)
        %dma_wait3A_127 = arith.constant 0 : i32
        %dma_wait3A_128 = arith.constant 0 : i32
        %dma_wait3A_129 = tpu.memref_slice %arg10[%dma_wait3A_127, %dma_wait3A_128] : memref<40x128xi32, #tpu.memory_space<vmem>> -> memref<16x128xi32, #tpu.memory_space<vmem>>
        %dma_wait3A_130 = arith.constant 2480 : i32
        %dma_wait3A_131 = arith.constant 0 : i32
        %dma_wait3A_132 = tpu.memref_slice %arg5[%dma_wait3A_130, %dma_wait3A_131] : memref<2496x128xi32, #tpu.memory_space<hbm>> -> memref<16x128xi32, #tpu.memory_space<hbm>>
        %dma_wait3A_133 = arith.constant 0 : i32
        %dma_wait3A_134 = arith.constant 0 : i32
        %dma_wait3A_135 = tpu.memref_slice %arg10[%dma_wait3A_133, %dma_wait3A_134] : memref<40x128xi32, #tpu.memory_space<vmem>> -> memref<16x128xi32, #tpu.memory_space<vmem>>
        %dma_wait3A_136 = arith.constant 2480 : i32
        %dma_wait3A_137 = arith.constant 0 : i32
        %dma_wait3A_138 = tpu.memref_slice %arg5[%dma_wait3A_136, %dma_wait3A_137] : memref<2496x128xi32, #tpu.memory_space<hbm>> -> memref<16x128xi32, #tpu.memory_space<hbm>>
        tpu.wait_dma2 semaphore(%run_scoped3A_114 : memref<!tpu.dma_semaphore, #tpu.memory_space<semaphore_mem>>) src(%dma_wait3A_138 : memref<16x128xi32, #tpu.memory_space<hbm>>) dst(%dma_wait3A_135 : memref<16x128xi32, #tpu.memory_space<vmem>>)
        tpu.yield
      }) : () -> ()
      "tpu.region"() ({
        %run_scoped3A_114 = tpu.sem_alloc : memref<!tpu.dma_semaphore, #tpu.memory_space<semaphore_mem>>
        %dma_start3A_115 = arith.constant 16 : i32
        %dma_start3A_116 = arith.constant 0 : i32
        %dma_start3A_117 = tpu.memref_slice %arg10[%dma_start3A_115, %dma_start3A_116] : memref<40x128xi32, #tpu.memory_space<vmem>> -> memref<24x128xi32, #tpu.memory_space<vmem>>
        %dma_start3A_118 = arith.constant 0 : i32
        %dma_start3A_119 = arith.constant 0 : i32
        %dma_start3A_120 = tpu.memref_slice %arg6[%dma_start3A_118, %dma_start3A_119] : memref<64x128xi32, #tpu.memory_space<hbm>> -> memref<24x128xi32, #tpu.memory_space<hbm>>
        %dma_start3A_121 = arith.constant 16 : i32
        %dma_start3A_122 = arith.constant 0 : i32
        %dma_start3A_123 = tpu.memref_slice %arg10[%dma_start3A_121, %dma_start3A_122] : memref<40x128xi32, #tpu.memory_space<vmem>> -> memref<24x128xi32, #tpu.memory_space<vmem>>
        %dma_start3A_124 = arith.constant 0 : i32
        %dma_start3A_125 = arith.constant 0 : i32
        %dma_start3A_126 = tpu.memref_slice %arg6[%dma_start3A_124, %dma_start3A_125] : memref<64x128xi32, #tpu.memory_space<hbm>> -> memref<24x128xi32, #tpu.memory_space<hbm>>
        tpu.enqueue_dma source(%dma_start3A_126 : memref<24x128xi32, #tpu.memory_space<hbm>>) target(%dma_start3A_123 : memref<24x128xi32, #tpu.memory_space<vmem>>) target_semaphore(%run_scoped3A_114 : memref<!tpu.dma_semaphore, #tpu.memory_space<semaphore_mem>>)
        %dma_wait3A_127 = arith.constant 16 : i32
        %dma_wait3A_128 = arith.constant 0 : i32
        %dma_wait3A_129 = tpu.memref_slice %arg10[%dma_wait3A_127, %dma_wait3A_128] : memref<40x128xi32, #tpu.memory_space<vmem>> -> memref<24x128xi32, #tpu.memory_space<vmem>>
        %dma_wait3A_130 = arith.constant 0 : i32
        %dma_wait3A_131 = arith.constant 0 : i32
        %dma_wait3A_132 = tpu.memref_slice %arg6[%dma_wait3A_130, %dma_wait3A_131] : memref<64x128xi32, #tpu.memory_space<hbm>> -> memref<24x128xi32, #tpu.memory_space<hbm>>
        %dma_wait3A_133 = arith.constant 16 : i32
        %dma_wait3A_134 = arith.constant 0 : i32
        %dma_wait3A_135 = tpu.memref_slice %arg10[%dma_wait3A_133, %dma_wait3A_134] : memref<40x128xi32, #tpu.memory_space<vmem>> -> memref<24x128xi32, #tpu.memory_space<vmem>>
        %dma_wait3A_136 = arith.constant 0 : i32
        %dma_wait3A_137 = arith.constant 0 : i32
        %dma_wait3A_138 = tpu.memref_slice %arg6[%dma_wait3A_136, %dma_wait3A_137] : memref<64x128xi32, #tpu.memory_space<hbm>> -> memref<24x128xi32, #tpu.memory_space<hbm>>
        tpu.wait_dma2 semaphore(%run_scoped3A_114 : memref<!tpu.dma_semaphore, #tpu.memory_space<semaphore_mem>>) src(%dma_wait3A_138 : memref<24x128xi32, #tpu.memory_space<hbm>>) dst(%dma_wait3A_135 : memref<24x128xi32, #tpu.memory_space<vmem>>)
        tpu.yield
      }) : () -> ()
    } else {
    }
    %dma_start3A = arith.constant 0 : i32
    %dma_start3A_20 = arith.constant 0 : i32
    %dma_start3A_21 = tpu.memref_slice %arg9[%dma_start3A, %dma_start3A_20] : memref<40x128xi32, #tpu.memory_space<vmem>> -> memref<1x128xi32, #tpu.memory_space<vmem>>
    %dma_start3A_22 = tpu.memref_squeeze %dma_start3A_21 : memref<1x128xi32, #tpu.memory_space<vmem>> -> memref<128xi32, #tpu.memory_space<vmem>>
    %dma_start3A_23 = arith.constant 0 : i32
    %dma_start3A_24 = arith.constant 0 : i32
    %dma_start3A_25 = tpu.memref_slice %arg2[%dma_start3A_23, %dma_start3A_24] : memref<10000x128xf32, #tpu.memory_space<hbm>> -> memref<10000x128xf32, #tpu.memory_space<hbm>>
    tpu.enqueue_indirect_dma source(%dma_start3A_25 : memref<10000x128xf32, #tpu.memory_space<hbm>>) target(%arg11 : memref<128x128xf32, #tpu.memory_space<vmem>>) offsets(%dma_start3A_22 : memref<128xi32, #tpu.memory_space<vmem>>) semaphore(%arg13 : memref<!tpu.dma_semaphore, #tpu.memory_space<semaphore_mem>>)
    %dma_start3A_26 = arith.constant 1 : i32
    %dma_start3A_27 = arith.constant 0 : i32
    %dma_start3A_28 = tpu.memref_slice %arg9[%dma_start3A_26, %dma_start3A_27] : memref<40x128xi32, #tpu.memory_space<vmem>> -> memref<1x128xi32, #tpu.memory_space<vmem>>
    %dma_start3A_29 = tpu.memref_squeeze %dma_start3A_28 : memref<1x128xi32, #tpu.memory_space<vmem>> -> memref<128xi32, #tpu.memory_space<vmem>>
    %dma_start3A_30 = arith.constant 0 : i32
    %dma_start3A_31 = arith.constant 0 : i32
    %dma_start3A_32 = tpu.memref_slice %arg2[%dma_start3A_30, %dma_start3A_31] : memref<10000x128xf32, #tpu.memory_space<hbm>> -> memref<10000x128xf32, #tpu.memory_space<hbm>>
    tpu.enqueue_indirect_dma source(%dma_start3A_32 : memref<10000x128xf32, #tpu.memory_space<hbm>>) target(%arg12 : memref<128x128xf32, #tpu.memory_space<vmem>>) offsets(%dma_start3A_29 : memref<128xi32, #tpu.memory_space<vmem>>) semaphore(%arg14 : memref<!tpu.dma_semaphore, #tpu.memory_space<semaphore_mem>>)
    %scan3A_33 = arith.constant 0 : i32
    %scan3A_34 = arith.constant 0 : i32
    %scan3A_35 = arith.constant 19 : i32
    %scan3A_36 = arith.addi %scan3A_34, %scan3A_35 : i32
    %scan3A_37 = arith.constant 1 : i32
    scf.for %scan3A_114 = %scan3A_34 to %scan3A_36 step %scan3A_37  : i32 {
      %mul3A_115 = arith.constant 2 : i32
      %mul3A_116 = arith.muli %mul3A_115, %scan3A_114 : i32
      %dma_wait3A_117 = arith.constant 0 : i32
      %dma_wait3A_118 = tpu.memref_slice %arg9[%mul3A_116, %dma_wait3A_117] : memref<40x128xi32, #tpu.memory_space<vmem>> -> memref<1x128xi32, #tpu.memory_space<vmem>>
      %dma_wait3A_119 = tpu.memref_squeeze %dma_wait3A_118 : memref<1x128xi32, #tpu.memory_space<vmem>> -> memref<128xi32, #tpu.memory_space<vmem>>
      %dma_wait3A_120 = arith.constant 0 : i32
      %dma_wait3A_121 = arith.constant 0 : i32
      %dma_wait3A_122 = tpu.memref_slice %arg2[%dma_wait3A_120, %dma_wait3A_121] : memref<10000x128xf32, #tpu.memory_space<hbm>> -> memref<10000x128xf32, #tpu.memory_space<hbm>>
      tpu.wait_indirect_dma semaphore(%arg13 : memref<!tpu.dma_semaphore, #tpu.memory_space<semaphore_mem>>) src(%dma_wait3A_122 : memref<10000x128xf32, #tpu.memory_space<hbm>>) dst(%arg11 : memref<128x128xf32, #tpu.memory_space<vmem>>)
      "tpu.region"() ({
        %run_scoped3A_149 = tpu.sem_alloc : memref<!tpu.dma_semaphore, #tpu.memory_space<semaphore_mem>>
        %dma_start3A_150 = arith.constant 0 : i32
        %dma_start3A_151 = tpu.memref_slice %arg10[%mul3A_116, %dma_start3A_150] : memref<40x128xi32, #tpu.memory_space<vmem>> -> memref<1x128xi32, #tpu.memory_space<vmem>>
        %dma_start3A_152 = tpu.memref_squeeze %dma_start3A_151 : memref<1x128xi32, #tpu.memory_space<vmem>> -> memref<128xi32, #tpu.memory_space<vmem>>
        %dma_start3A_153 = arith.constant 0 : i32
        %dma_start3A_154 = arith.constant 0 : i32
        %dma_start3A_155 = tpu.memref_slice %arg15[%dma_start3A_153, %dma_start3A_154] : memref<10112x128xf32, #tpu.memory_space<vmem_shared>> -> memref<10112x128xf32, #tpu.memory_space<vmem_shared>>
        tpu.enqueue_indirect_dma source(%arg11 : memref<128x128xf32, #tpu.memory_space<vmem>>) target(%dma_start3A_155 : memref<10112x128xf32, #tpu.memory_space<vmem_shared>>) offsets(%dma_start3A_152 : memref<128xi32, #tpu.memory_space<vmem>>) semaphore(%run_scoped3A_149 : memref<!tpu.dma_semaphore, #tpu.memory_space<semaphore_mem>>) {add = true}
        %dma_wait3A_156 = arith.constant 0 : i32
        %dma_wait3A_157 = tpu.memref_slice %arg10[%mul3A_116, %dma_wait3A_156] : memref<40x128xi32, #tpu.memory_space<vmem>> -> memref<1x128xi32, #tpu.memory_space<vmem>>
        %dma_wait3A_158 = tpu.memref_squeeze %dma_wait3A_157 : memref<1x128xi32, #tpu.memory_space<vmem>> -> memref<128xi32, #tpu.memory_space<vmem>>
        %dma_wait3A_159 = arith.constant 0 : i32
        %dma_wait3A_160 = arith.constant 0 : i32
        %dma_wait3A_161 = tpu.memref_slice %arg15[%dma_wait3A_159, %dma_wait3A_160] : memref<10112x128xf32, #tpu.memory_space<vmem_shared>> -> memref<10112x128xf32, #tpu.memory_space<vmem_shared>>
        tpu.wait_indirect_dma semaphore(%run_scoped3A_149 : memref<!tpu.dma_semaphore, #tpu.memory_space<semaphore_mem>>) src(%arg11 : memref<128x128xf32, #tpu.memory_space<vmem>>) dst(%dma_wait3A_161 : memref<10112x128xf32, #tpu.memory_space<vmem_shared>>)
        tpu.yield
      }) : () -> ()
      %add3A_123 = arith.constant 2 : i32
      %add3A_124 = arith.addi %mul3A_116, %add3A_123 : i32
      %dma_start3A_125 = arith.constant 0 : i32
      %dma_start3A_126 = tpu.memref_slice %arg9[%add3A_124, %dma_start3A_125] : memref<40x128xi32, #tpu.memory_space<vmem>> -> memref<1x128xi32, #tpu.memory_space<vmem>>
      %dma_start3A_127 = tpu.memref_squeeze %dma_start3A_126 : memref<1x128xi32, #tpu.memory_space<vmem>> -> memref<128xi32, #tpu.memory_space<vmem>>
      %dma_start3A_128 = arith.constant 0 : i32
      %dma_start3A_129 = arith.constant 0 : i32
      %dma_start3A_130 = tpu.memref_slice %arg2[%dma_start3A_128, %dma_start3A_129] : memref<10000x128xf32, #tpu.memory_space<hbm>> -> memref<10000x128xf32, #tpu.memory_space<hbm>>
      tpu.enqueue_indirect_dma source(%dma_start3A_130 : memref<10000x128xf32, #tpu.memory_space<hbm>>) target(%arg11 : memref<128x128xf32, #tpu.memory_space<vmem>>) offsets(%dma_start3A_127 : memref<128xi32, #tpu.memory_space<vmem>>) semaphore(%arg13 : memref<!tpu.dma_semaphore, #tpu.memory_space<semaphore_mem>>)
      %add3A_131 = arith.constant 1 : i32
      %add3A_132 = arith.addi %mul3A_116, %add3A_131 : i32
      %dma_wait3A_133 = arith.constant 0 : i32
      %dma_wait3A_134 = tpu.memref_slice %arg9[%add3A_132, %dma_wait3A_133] : memref<40x128xi32, #tpu.memory_space<vmem>> -> memref<1x128xi32, #tpu.memory_space<vmem>>
      %dma_wait3A_135 = tpu.memref_squeeze %dma_wait3A_134 : memref<1x128xi32, #tpu.memory_space<vmem>> -> memref<128xi32, #tpu.memory_space<vmem>>
      %dma_wait3A_136 = arith.constant 0 : i32
      %dma_wait3A_137 = arith.constant 0 : i32
      %dma_wait3A_138 = tpu.memref_slice %arg2[%dma_wait3A_136, %dma_wait3A_137] : memref<10000x128xf32, #tpu.memory_space<hbm>> -> memref<10000x128xf32, #tpu.memory_space<hbm>>
      tpu.wait_indirect_dma semaphore(%arg14 : memref<!tpu.dma_semaphore, #tpu.memory_space<semaphore_mem>>) src(%dma_wait3A_138 : memref<10000x128xf32, #tpu.memory_space<hbm>>) dst(%arg12 : memref<128x128xf32, #tpu.memory_space<vmem>>)
      %add3A_139 = arith.constant 1 : i32
      %add3A_140 = arith.addi %mul3A_116, %add3A_139 : i32
      "tpu.region"() ({
        %run_scoped3A_149 = tpu.sem_alloc : memref<!tpu.dma_semaphore, #tpu.memory_space<semaphore_mem>>
        %dma_start3A_150 = arith.constant 0 : i32
        %dma_start3A_151 = tpu.memref_slice %arg10[%add3A_140, %dma_start3A_150] : memref<40x128xi32, #tpu.memory_space<vmem>> -> memref<1x128xi32, #tpu.memory_space<vmem>>
        %dma_start3A_152 = tpu.memref_squeeze %dma_start3A_151 : memref<1x128xi32, #tpu.memory_space<vmem>> -> memref<128xi32, #tpu.memory_space<vmem>>
        %dma_start3A_153 = arith.constant 0 : i32
        %dma_start3A_154 = arith.constant 0 : i32
        %dma_start3A_155 = tpu.memref_slice %arg15[%dma_start3A_153, %dma_start3A_154] : memref<10112x128xf32, #tpu.memory_space<vmem_shared>> -> memref<10112x128xf32, #tpu.memory_space<vmem_shared>>
        tpu.enqueue_indirect_dma source(%arg12 : memref<128x128xf32, #tpu.memory_space<vmem>>) target(%dma_start3A_155 : memref<10112x128xf32, #tpu.memory_space<vmem_shared>>) offsets(%dma_start3A_152 : memref<128xi32, #tpu.memory_space<vmem>>) semaphore(%run_scoped3A_149 : memref<!tpu.dma_semaphore, #tpu.memory_space<semaphore_mem>>) {add = true}
        %dma_wait3A_156 = arith.constant 0 : i32
        %dma_wait3A_157 = tpu.memref_slice %arg10[%add3A_140, %dma_wait3A_156] : memref<40x128xi32, #tpu.memory_space<vmem>> -> memref<1x128xi32, #tpu.memory_space<vmem>>
        %dma_wait3A_158 = tpu.memref_squeeze %dma_wait3A_157 : memref<1x128xi32, #tpu.memory_space<vmem>> -> memref<128xi32, #tpu.memory_space<vmem>>
        %dma_wait3A_159 = arith.constant 0 : i32
        %dma_wait3A_160 = arith.constant 0 : i32
        %dma_wait3A_161 = tpu.memref_slice %arg15[%dma_wait3A_159, %dma_wait3A_160] : memref<10112x128xf32, #tpu.memory_space<vmem_shared>> -> memref<10112x128xf32, #tpu.memory_space<vmem_shared>>
        tpu.wait_indirect_dma semaphore(%run_scoped3A_149 : memref<!tpu.dma_semaphore, #tpu.memory_space<semaphore_mem>>) src(%arg12 : memref<128x128xf32, #tpu.memory_space<vmem>>) dst(%dma_wait3A_161 : memref<10112x128xf32, #tpu.memory_space<vmem_shared>>)
        tpu.yield
      }) : () -> ()
      %add3A_141 = arith.constant 3 : i32
      %add3A_142 = arith.addi %mul3A_116, %add3A_141 : i32
      %dma_start3A_143 = arith.constant 0 : i32
      %dma_start3A_144 = tpu.memref_slice %arg9[%add3A_142, %dma_start3A_143] : memref<40x128xi32, #tpu.memory_space<vmem>> -> memref<1x128xi32, #tpu.memory_space<vmem>>
      %dma_start3A_145 = tpu.memref_squeeze %dma_start3A_144 : memref<1x128xi32, #tpu.memory_space<vmem>> -> memref<128xi32, #tpu.memory_space<vmem>>
      %dma_start3A_146 = arith.constant 0 : i32
      %dma_start3A_147 = arith.constant 0 : i32
      %dma_start3A_148 = tpu.memref_slice %arg2[%dma_start3A_146, %dma_start3A_147] : memref<10000x128xf32, #tpu.memory_space<hbm>> -> memref<10000x128xf32, #tpu.memory_space<hbm>>
      tpu.enqueue_indirect_dma source(%dma_start3A_148 : memref<10000x128xf32, #tpu.memory_space<hbm>>) target(%arg12 : memref<128x128xf32, #tpu.memory_space<vmem>>) offsets(%dma_start3A_145 : memref<128xi32, #tpu.memory_space<vmem>>) semaphore(%arg14 : memref<!tpu.dma_semaphore, #tpu.memory_space<semaphore_mem>>)
    }
    %scan3A_38 = arith.constant 19 : i32
    %dma_wait3A = arith.constant 38 : i32
    %dma_wait3A_39 = arith.constant 0 : i32
    %dma_wait3A_40 = tpu.memref_slice %arg9[%dma_wait3A, %dma_wait3A_39] : memref<40x128xi32, #tpu.memory_space<vmem>> -> memref<1x128xi32, #tpu.memory_space<vmem>>
    %dma_wait3A_41 = tpu.memref_squeeze %dma_wait3A_40 : memref<1x128xi32, #tpu.memory_space<vmem>> -> memref<128xi32, #tpu.memory_space<vmem>>
    %dma_wait3A_42 = arith.constant 0 : i32
    %dma_wait3A_43 = arith.constant 0 : i32
    %dma_wait3A_44 = tpu.memref_slice %arg2[%dma_wait3A_42, %dma_wait3A_43] : memref<10000x128xf32, #tpu.memory_space<hbm>> -> memref<10000x128xf32, #tpu.memory_space<hbm>>
    tpu.wait_indirect_dma semaphore(%arg13 : memref<!tpu.dma_semaphore, #tpu.memory_space<semaphore_mem>>) src(%dma_wait3A_44 : memref<10000x128xf32, #tpu.memory_space<hbm>>) dst(%arg11 : memref<128x128xf32, #tpu.memory_space<vmem>>)
    %run_scoped3A = arith.constant 38 : i32
    "tpu.region"() ({
      %run_scoped3A_114 = tpu.sem_alloc : memref<!tpu.dma_semaphore, #tpu.memory_space<semaphore_mem>>
      %dma_start3A_115 = arith.constant 0 : i32
      %dma_start3A_116 = tpu.memref_slice %arg10[%run_scoped3A, %dma_start3A_115] : memref<40x128xi32, #tpu.memory_space<vmem>> -> memref<1x128xi32, #tpu.memory_space<vmem>>
      %dma_start3A_117 = tpu.memref_squeeze %dma_start3A_116 : memref<1x128xi32, #tpu.memory_space<vmem>> -> memref<128xi32, #tpu.memory_space<vmem>>
      %dma_start3A_118 = arith.constant 0 : i32
      %dma_start3A_119 = arith.constant 0 : i32
      %dma_start3A_120 = tpu.memref_slice %arg15[%dma_start3A_118, %dma_start3A_119] : memref<10112x128xf32, #tpu.memory_space<vmem_shared>> -> memref<10112x128xf32, #tpu.memory_space<vmem_shared>>
      tpu.enqueue_indirect_dma source(%arg11 : memref<128x128xf32, #tpu.memory_space<vmem>>) target(%dma_start3A_120 : memref<10112x128xf32, #tpu.memory_space<vmem_shared>>) offsets(%dma_start3A_117 : memref<128xi32, #tpu.memory_space<vmem>>) semaphore(%run_scoped3A_114 : memref<!tpu.dma_semaphore, #tpu.memory_space<semaphore_mem>>) {add = true}
      %dma_wait3A_121 = arith.constant 0 : i32
      %dma_wait3A_122 = tpu.memref_slice %arg10[%run_scoped3A, %dma_wait3A_121] : memref<40x128xi32, #tpu.memory_space<vmem>> -> memref<1x128xi32, #tpu.memory_space<vmem>>
      %dma_wait3A_123 = tpu.memref_squeeze %dma_wait3A_122 : memref<1x128xi32, #tpu.memory_space<vmem>> -> memref<128xi32, #tpu.memory_space<vmem>>
      %dma_wait3A_124 = arith.constant 0 : i32
      %dma_wait3A_125 = arith.constant 0 : i32
      %dma_wait3A_126 = tpu.memref_slice %arg15[%dma_wait3A_124, %dma_wait3A_125] : memref<10112x128xf32, #tpu.memory_space<vmem_shared>> -> memref<10112x128xf32, #tpu.memory_space<vmem_shared>>
      tpu.wait_indirect_dma semaphore(%run_scoped3A_114 : memref<!tpu.dma_semaphore, #tpu.memory_space<semaphore_mem>>) src(%arg11 : memref<128x128xf32, #tpu.memory_space<vmem>>) dst(%dma_wait3A_126 : memref<10112x128xf32, #tpu.memory_space<vmem_shared>>)
      tpu.yield
    }) : () -> ()
    %dma_wait3A_45 = arith.constant 39 : i32
    %dma_wait3A_46 = arith.constant 0 : i32
    %dma_wait3A_47 = tpu.memref_slice %arg9[%dma_wait3A_45, %dma_wait3A_46] : memref<40x128xi32, #tpu.memory_space<vmem>> -> memref<1x128xi32, #tpu.memory_space<vmem>>
    %dma_wait3A_48 = tpu.memref_squeeze %dma_wait3A_47 : memref<1x128xi32, #tpu.memory_space<vmem>> -> memref<128xi32, #tpu.memory_space<vmem>>
    %dma_wait3A_49 = arith.constant 0 : i32
    %dma_wait3A_50 = arith.constant 0 : i32
    %dma_wait3A_51 = tpu.memref_slice %arg2[%dma_wait3A_49, %dma_wait3A_50] : memref<10000x128xf32, #tpu.memory_space<hbm>> -> memref<10000x128xf32, #tpu.memory_space<hbm>>
    tpu.wait_indirect_dma semaphore(%arg14 : memref<!tpu.dma_semaphore, #tpu.memory_space<semaphore_mem>>) src(%dma_wait3A_51 : memref<10000x128xf32, #tpu.memory_space<hbm>>) dst(%arg12 : memref<128x128xf32, #tpu.memory_space<vmem>>)
    %run_scoped3A_52 = arith.constant 39 : i32
    "tpu.region"() ({
      %run_scoped3A_114 = tpu.sem_alloc : memref<!tpu.dma_semaphore, #tpu.memory_space<semaphore_mem>>
      %dma_start3A_115 = arith.constant 0 : i32
      %dma_start3A_116 = tpu.memref_slice %arg10[%run_scoped3A_52, %dma_start3A_115] : memref<40x128xi32, #tpu.memory_space<vmem>> -> memref<1x128xi32, #tpu.memory_space<vmem>>
      %dma_start3A_117 = tpu.memref_squeeze %dma_start3A_116 : memref<1x128xi32, #tpu.memory_space<vmem>> -> memref<128xi32, #tpu.memory_space<vmem>>
      %dma_start3A_118 = arith.constant 0 : i32
      %dma_start3A_119 = arith.constant 0 : i32
      %dma_start3A_120 = tpu.memref_slice %arg15[%dma_start3A_118, %dma_start3A_119] : memref<10112x128xf32, #tpu.memory_space<vmem_shared>> -> memref<10112x128xf32, #tpu.memory_space<vmem_shared>>
      tpu.enqueue_indirect_dma source(%arg12 : memref<128x128xf32, #tpu.memory_space<vmem>>) target(%dma_start3A_120 : memref<10112x128xf32, #tpu.memory_space<vmem_shared>>) offsets(%dma_start3A_117 : memref<128xi32, #tpu.memory_space<vmem>>) semaphore(%run_scoped3A_114 : memref<!tpu.dma_semaphore, #tpu.memory_space<semaphore_mem>>) {add = true}
      %dma_wait3A_121 = arith.constant 0 : i32
      %dma_wait3A_122 = tpu.memref_slice %arg10[%run_scoped3A_52, %dma_wait3A_121] : memref<40x128xi32, #tpu.memory_space<vmem>> -> memref<1x128xi32, #tpu.memory_space<vmem>>
      %dma_wait3A_123 = tpu.memref_squeeze %dma_wait3A_122 : memref<1x128xi32, #tpu.memory_space<vmem>> -> memref<128xi32, #tpu.memory_space<vmem>>
      %dma_wait3A_124 = arith.constant 0 : i32
      %dma_wait3A_125 = arith.constant 0 : i32
      %dma_wait3A_126 = tpu.memref_slice %arg15[%dma_wait3A_124, %dma_wait3A_125] : memref<10112x128xf32, #tpu.memory_space<vmem_shared>> -> memref<10112x128xf32, #tpu.memory_space<vmem_shared>>
      tpu.wait_indirect_dma semaphore(%run_scoped3A_114 : memref<!tpu.dma_semaphore, #tpu.memory_space<semaphore_mem>>) src(%arg12 : memref<128x128xf32, #tpu.memory_space<vmem>>) dst(%dma_wait3A_126 : memref<10112x128xf32, #tpu.memory_space<vmem_shared>>)
      tpu.yield
    }) : () -> ()
    %mul3A_53 = arith.constant 80 : i32
    %mul3A_54 = arith.muli %add3A, %mul3A_53 : i32
    %add3A_55 = arith.constant 40 : i32
    %add3A_56 = arith.addi %mul3A_54, %add3A_55 : i32
    %ne3A_57 = arith.constant 31 : i32
    %ne3A_58 = arith.cmpi ne, %add3A, %ne3A_57 : i32
    %convert_element_type3A_59 = arith.extui %ne3A_58 : i1 to i32
    %cond3A_60 = arith.constant 0 : i32
    %cond3A_61 = arith.cmpi ne, %convert_element_type3A_59, %cond3A_60 : i32
    scf.if %cond3A_61 {
      "tpu.region"() ({
        %run_scoped3A_114 = tpu.sem_alloc : memref<!tpu.dma_semaphore, #tpu.memory_space<semaphore_mem>>
        %dma_start3A_115 = arith.constant 0 : i32
        %dma_start3A_116 = tpu.memref_slice %arg3[%add3A_56, %dma_start3A_115] : memref<2496x128xi32, #tpu.memory_space<hbm>> -> memref<40x128xi32, #tpu.memory_space<hbm>>
        %dma_start3A_117 = arith.constant 0 : i32
        %dma_start3A_118 = tpu.memref_slice %arg3[%add3A_56, %dma_start3A_117] : memref<2496x128xi32, #tpu.memory_space<hbm>> -> memref<40x128xi32, #tpu.memory_space<hbm>>
        tpu.enqueue_dma source(%dma_start3A_118 : memref<40x128xi32, #tpu.memory_space<hbm>>) target(%arg9 : memref<40x128xi32, #tpu.memory_space<vmem>>) target_semaphore(%run_scoped3A_114 : memref<!tpu.dma_semaphore, #tpu.memory_space<semaphore_mem>>)
        %dma_wait3A_119 = arith.constant 0 : i32
        %dma_wait3A_120 = tpu.memref_slice %arg3[%add3A_56, %dma_wait3A_119] : memref<2496x128xi32, #tpu.memory_space<hbm>> -> memref<40x128xi32, #tpu.memory_space<hbm>>
        %dma_wait3A_121 = arith.constant 0 : i32
        %dma_wait3A_122 = tpu.memref_slice %arg3[%add3A_56, %dma_wait3A_121] : memref<2496x128xi32, #tpu.memory_space<hbm>> -> memref<40x128xi32, #tpu.memory_space<hbm>>
        tpu.wait_dma2 semaphore(%run_scoped3A_114 : memref<!tpu.dma_semaphore, #tpu.memory_space<semaphore_mem>>) src(%dma_wait3A_122 : memref<40x128xi32, #tpu.memory_space<hbm>>) dst(%arg9 : memref<40x128xi32, #tpu.memory_space<vmem>>)
        tpu.yield
      }) : () -> ()
      "tpu.region"() ({
        %run_scoped3A_114 = tpu.sem_alloc : memref<!tpu.dma_semaphore, #tpu.memory_space<semaphore_mem>>
        %dma_start3A_115 = arith.constant 0 : i32
        %dma_start3A_116 = tpu.memref_slice %arg5[%add3A_56, %dma_start3A_115] : memref<2496x128xi32, #tpu.memory_space<hbm>> -> memref<40x128xi32, #tpu.memory_space<hbm>>
        %dma_start3A_117 = arith.constant 0 : i32
        %dma_start3A_118 = tpu.memref_slice %arg5[%add3A_56, %dma_start3A_117] : memref<2496x128xi32, #tpu.memory_space<hbm>> -> memref<40x128xi32, #tpu.memory_space<hbm>>
        tpu.enqueue_dma source(%dma_start3A_118 : memref<40x128xi32, #tpu.memory_space<hbm>>) target(%arg10 : memref<40x128xi32, #tpu.memory_space<vmem>>) target_semaphore(%run_scoped3A_114 : memref<!tpu.dma_semaphore, #tpu.memory_space<semaphore_mem>>)
        %dma_wait3A_119 = arith.constant 0 : i32
        %dma_wait3A_120 = tpu.memref_slice %arg5[%add3A_56, %dma_wait3A_119] : memref<2496x128xi32, #tpu.memory_space<hbm>> -> memref<40x128xi32, #tpu.memory_space<hbm>>
        %dma_wait3A_121 = arith.constant 0 : i32
        %dma_wait3A_122 = tpu.memref_slice %arg5[%add3A_56, %dma_wait3A_121] : memref<2496x128xi32, #tpu.memory_space<hbm>> -> memref<40x128xi32, #tpu.memory_space<hbm>>
        tpu.wait_dma2 semaphore(%run_scoped3A_114 : memref<!tpu.dma_semaphore, #tpu.memory_space<semaphore_mem>>) src(%dma_wait3A_122 : memref<40x128xi32, #tpu.memory_space<hbm>>) dst(%arg10 : memref<40x128xi32, #tpu.memory_space<vmem>>)
        tpu.yield
      }) : () -> ()
    } else {
    }
    %eq3A_62 = arith.constant 31 : i32
    %eq3A_63 = arith.cmpi eq, %add3A, %eq3A_62 : i32
    %convert_element_type3A_64 = arith.extui %eq3A_63 : i1 to i32
    %cond3A_65 = arith.constant 0 : i32
    %cond3A_66 = arith.cmpi ne, %convert_element_type3A_64, %cond3A_65 : i32
    scf.if %cond3A_66 {
      "tpu.region"() ({
        %run_scoped3A_114 = tpu.sem_alloc : memref<!tpu.dma_semaphore, #tpu.memory_space<semaphore_mem>>
        %dma_start3A_115 = arith.constant 24 : i32
        %dma_start3A_116 = arith.constant 0 : i32
        %dma_start3A_117 = tpu.memref_slice %arg4[%dma_start3A_115, %dma_start3A_116] : memref<64x128xi32, #tpu.memory_space<hbm>> -> memref<40x128xi32, #tpu.memory_space<hbm>>
        %dma_start3A_118 = arith.constant 24 : i32
        %dma_start3A_119 = arith.constant 0 : i32
        %dma_start3A_120 = tpu.memref_slice %arg4[%dma_start3A_118, %dma_start3A_119] : memref<64x128xi32, #tpu.memory_space<hbm>> -> memref<40x128xi32, #tpu.memory_space<hbm>>
        tpu.enqueue_dma source(%dma_start3A_120 : memref<40x128xi32, #tpu.memory_space<hbm>>) target(%arg9 : memref<40x128xi32, #tpu.memory_space<vmem>>) target_semaphore(%run_scoped3A_114 : memref<!tpu.dma_semaphore, #tpu.memory_space<semaphore_mem>>)
        %dma_wait3A_121 = arith.constant 24 : i32
        %dma_wait3A_122 = arith.constant 0 : i32
        %dma_wait3A_123 = tpu.memref_slice %arg4[%dma_wait3A_121, %dma_wait3A_122] : memref<64x128xi32, #tpu.memory_space<hbm>> -> memref<40x128xi32, #tpu.memory_space<hbm>>
        %dma_wait3A_124 = arith.constant 24 : i32
        %dma_wait3A_125 = arith.constant 0 : i32
        %dma_wait3A_126 = tpu.memref_slice %arg4[%dma_wait3A_124, %dma_wait3A_125] : memref<64x128xi32, #tpu.memory_space<hbm>> -> memref<40x128xi32, #tpu.memory_space<hbm>>
        tpu.wait_dma2 semaphore(%run_scoped3A_114 : memref<!tpu.dma_semaphore, #tpu.memory_space<semaphore_mem>>) src(%dma_wait3A_126 : memref<40x128xi32, #tpu.memory_space<hbm>>) dst(%arg9 : memref<40x128xi32, #tpu.memory_space<vmem>>)
        tpu.yield
      }) : () -> ()
      "tpu.region"() ({
        %run_scoped3A_114 = tpu.sem_alloc : memref<!tpu.dma_semaphore, #tpu.memory_space<semaphore_mem>>
        %dma_start3A_115 = arith.constant 24 : i32
        %dma_start3A_116 = arith.constant 0 : i32
        %dma_start3A_117 = tpu.memref_slice %arg6[%dma_start3A_115, %dma_start3A_116] : memref<64x128xi32, #tpu.memory_space<hbm>> -> memref<40x128xi32, #tpu.memory_space<hbm>>
        %dma_start3A_118 = arith.constant 24 : i32
        %dma_start3A_119 = arith.constant 0 : i32
        %dma_start3A_120 = tpu.memref_slice %arg6[%dma_start3A_118, %dma_start3A_119] : memref<64x128xi32, #tpu.memory_space<hbm>> -> memref<40x128xi32, #tpu.memory_space<hbm>>
        tpu.enqueue_dma source(%dma_start3A_120 : memref<40x128xi32, #tpu.memory_space<hbm>>) target(%arg10 : memref<40x128xi32, #tpu.memory_space<vmem>>) target_semaphore(%run_scoped3A_114 : memref<!tpu.dma_semaphore, #tpu.memory_space<semaphore_mem>>)
        %dma_wait3A_121 = arith.constant 24 : i32
        %dma_wait3A_122 = arith.constant 0 : i32
        %dma_wait3A_123 = tpu.memref_slice %arg6[%dma_wait3A_121, %dma_wait3A_122] : memref<64x128xi32, #tpu.memory_space<hbm>> -> memref<40x128xi32, #tpu.memory_space<hbm>>
        %dma_wait3A_124 = arith.constant 24 : i32
        %dma_wait3A_125 = arith.constant 0 : i32
        %dma_wait3A_126 = tpu.memref_slice %arg6[%dma_wait3A_124, %dma_wait3A_125] : memref<64x128xi32, #tpu.memory_space<hbm>> -> memref<40x128xi32, #tpu.memory_space<hbm>>
        tpu.wait_dma2 semaphore(%run_scoped3A_114 : memref<!tpu.dma_semaphore, #tpu.memory_space<semaphore_mem>>) src(%dma_wait3A_126 : memref<40x128xi32, #tpu.memory_space<hbm>>) dst(%arg10 : memref<40x128xi32, #tpu.memory_space<vmem>>)
        tpu.yield
      }) : () -> ()
    } else {
    }
    %dma_start3A_67 = arith.constant 0 : i32
    %dma_start3A_68 = arith.constant 0 : i32
    %dma_start3A_69 = tpu.memref_slice %arg9[%dma_start3A_67, %dma_start3A_68] : memref<40x128xi32, #tpu.memory_space<vmem>> -> memref<1x128xi32, #tpu.memory_space<vmem>>
    %dma_start3A_70 = tpu.memref_squeeze %dma_start3A_69 : memref<1x128xi32, #tpu.memory_space<vmem>> -> memref<128xi32, #tpu.memory_space<vmem>>
    %dma_start3A_71 = arith.constant 0 : i32
    %dma_start3A_72 = arith.constant 0 : i32
    %dma_start3A_73 = tpu.memref_slice %arg2[%dma_start3A_71, %dma_start3A_72] : memref<10000x128xf32, #tpu.memory_space<hbm>> -> memref<10000x128xf32, #tpu.memory_space<hbm>>
    tpu.enqueue_indirect_dma source(%dma_start3A_73 : memref<10000x128xf32, #tpu.memory_space<hbm>>) target(%arg11 : memref<128x128xf32, #tpu.memory_space<vmem>>) offsets(%dma_start3A_70 : memref<128xi32, #tpu.memory_space<vmem>>) semaphore(%arg13 : memref<!tpu.dma_semaphore, #tpu.memory_space<semaphore_mem>>)
    %dma_start3A_74 = arith.constant 1 : i32
    %dma_start3A_75 = arith.constant 0 : i32
    %dma_start3A_76 = tpu.memref_slice %arg9[%dma_start3A_74, %dma_start3A_75] : memref<40x128xi32, #tpu.memory_space<vmem>> -> memref<1x128xi32, #tpu.memory_space<vmem>>
    %dma_start3A_77 = tpu.memref_squeeze %dma_start3A_76 : memref<1x128xi32, #tpu.memory_space<vmem>> -> memref<128xi32, #tpu.memory_space<vmem>>
    %dma_start3A_78 = arith.constant 0 : i32
    %dma_start3A_79 = arith.constant 0 : i32
    %dma_start3A_80 = tpu.memref_slice %arg2[%dma_start3A_78, %dma_start3A_79] : memref<10000x128xf32, #tpu.memory_space<hbm>> -> memref<10000x128xf32, #tpu.memory_space<hbm>>
    tpu.enqueue_indirect_dma source(%dma_start3A_80 : memref<10000x128xf32, #tpu.memory_space<hbm>>) target(%arg12 : memref<128x128xf32, #tpu.memory_space<vmem>>) offsets(%dma_start3A_77 : memref<128xi32, #tpu.memory_space<vmem>>) semaphore(%arg14 : memref<!tpu.dma_semaphore, #tpu.memory_space<semaphore_mem>>)
    %scan3A_81 = arith.constant 0 : i32
    %scan3A_82 = arith.constant 0 : i32
    %scan3A_83 = arith.constant 19 : i32
    %scan3A_84 = arith.addi %scan3A_82, %scan3A_83 : i32
    %scan3A_85 = arith.constant 1 : i32
    scf.for %scan3A_114 = %scan3A_82 to %scan3A_84 step %scan3A_85  : i32 {
      %mul3A_115 = arith.constant 2 : i32
      %mul3A_116 = arith.muli %mul3A_115, %scan3A_114 : i32
      %dma_wait3A_117 = arith.constant 0 : i32
      %dma_wait3A_118 = tpu.memref_slice %arg9[%mul3A_116, %dma_wait3A_117] : memref<40x128xi32, #tpu.memory_space<vmem>> -> memref<1x128xi32, #tpu.memory_space<vmem>>
      %dma_wait3A_119 = tpu.memref_squeeze %dma_wait3A_118 : memref<1x128xi32, #tpu.memory_space<vmem>> -> memref<128xi32, #tpu.memory_space<vmem>>
      %dma_wait3A_120 = arith.constant 0 : i32
      %dma_wait3A_121 = arith.constant 0 : i32
      %dma_wait3A_122 = tpu.memref_slice %arg2[%dma_wait3A_120, %dma_wait3A_121] : memref<10000x128xf32, #tpu.memory_space<hbm>> -> memref<10000x128xf32, #tpu.memory_space<hbm>>
      tpu.wait_indirect_dma semaphore(%arg13 : memref<!tpu.dma_semaphore, #tpu.memory_space<semaphore_mem>>) src(%dma_wait3A_122 : memref<10000x128xf32, #tpu.memory_space<hbm>>) dst(%arg11 : memref<128x128xf32, #tpu.memory_space<vmem>>)
      "tpu.region"() ({
        %run_scoped3A_149 = tpu.sem_alloc : memref<!tpu.dma_semaphore, #tpu.memory_space<semaphore_mem>>
        %dma_start3A_150 = arith.constant 0 : i32
        %dma_start3A_151 = tpu.memref_slice %arg10[%mul3A_116, %dma_start3A_150] : memref<40x128xi32, #tpu.memory_space<vmem>> -> memref<1x128xi32, #tpu.memory_space<vmem>>
        %dma_start3A_152 = tpu.memref_squeeze %dma_start3A_151 : memref<1x128xi32, #tpu.memory_space<vmem>> -> memref<128xi32, #tpu.memory_space<vmem>>
        %dma_start3A_153 = arith.constant 0 : i32
        %dma_start3A_154 = arith.constant 0 : i32
        %dma_start3A_155 = tpu.memref_slice %arg15[%dma_start3A_153, %dma_start3A_154] : memref<10112x128xf32, #tpu.memory_space<vmem_shared>> -> memref<10112x128xf32, #tpu.memory_space<vmem_shared>>
        tpu.enqueue_indirect_dma source(%arg11 : memref<128x128xf32, #tpu.memory_space<vmem>>) target(%dma_start3A_155 : memref<10112x128xf32, #tpu.memory_space<vmem_shared>>) offsets(%dma_start3A_152 : memref<128xi32, #tpu.memory_space<vmem>>) semaphore(%run_scoped3A_149 : memref<!tpu.dma_semaphore, #tpu.memory_space<semaphore_mem>>) {add = true}
        %dma_wait3A_156 = arith.constant 0 : i32
        %dma_wait3A_157 = tpu.memref_slice %arg10[%mul3A_116, %dma_wait3A_156] : memref<40x128xi32, #tpu.memory_space<vmem>> -> memref<1x128xi32, #tpu.memory_space<vmem>>
        %dma_wait3A_158 = tpu.memref_squeeze %dma_wait3A_157 : memref<1x128xi32, #tpu.memory_space<vmem>> -> memref<128xi32, #tpu.memory_space<vmem>>
        %dma_wait3A_159 = arith.constant 0 : i32
        %dma_wait3A_160 = arith.constant 0 : i32
        %dma_wait3A_161 = tpu.memref_slice %arg15[%dma_wait3A_159, %dma_wait3A_160] : memref<10112x128xf32, #tpu.memory_space<vmem_shared>> -> memref<10112x128xf32, #tpu.memory_space<vmem_shared>>
        tpu.wait_indirect_dma semaphore(%run_scoped3A_149 : memref<!tpu.dma_semaphore, #tpu.memory_space<semaphore_mem>>) src(%arg11 : memref<128x128xf32, #tpu.memory_space<vmem>>) dst(%dma_wait3A_161 : memref<10112x128xf32, #tpu.memory_space<vmem_shared>>)
        tpu.yield
      }) : () -> ()
      %add3A_123 = arith.constant 2 : i32
      %add3A_124 = arith.addi %mul3A_116, %add3A_123 : i32
      %dma_start3A_125 = arith.constant 0 : i32
      %dma_start3A_126 = tpu.memref_slice %arg9[%add3A_124, %dma_start3A_125] : memref<40x128xi32, #tpu.memory_space<vmem>> -> memref<1x128xi32, #tpu.memory_space<vmem>>
      %dma_start3A_127 = tpu.memref_squeeze %dma_start3A_126 : memref<1x128xi32, #tpu.memory_space<vmem>> -> memref<128xi32, #tpu.memory_space<vmem>>
      %dma_start3A_128 = arith.constant 0 : i32
      %dma_start3A_129 = arith.constant 0 : i32
      %dma_start3A_130 = tpu.memref_slice %arg2[%dma_start3A_128, %dma_start3A_129] : memref<10000x128xf32, #tpu.memory_space<hbm>> -> memref<10000x128xf32, #tpu.memory_space<hbm>>
      tpu.enqueue_indirect_dma source(%dma_start3A_130 : memref<10000x128xf32, #tpu.memory_space<hbm>>) target(%arg11 : memref<128x128xf32, #tpu.memory_space<vmem>>) offsets(%dma_start3A_127 : memref<128xi32, #tpu.memory_space<vmem>>) semaphore(%arg13 : memref<!tpu.dma_semaphore, #tpu.memory_space<semaphore_mem>>)
      %add3A_131 = arith.constant 1 : i32
      %add3A_132 = arith.addi %mul3A_116, %add3A_131 : i32
      %dma_wait3A_133 = arith.constant 0 : i32
      %dma_wait3A_134 = tpu.memref_slice %arg9[%add3A_132, %dma_wait3A_133] : memref<40x128xi32, #tpu.memory_space<vmem>> -> memref<1x128xi32, #tpu.memory_space<vmem>>
      %dma_wait3A_135 = tpu.memref_squeeze %dma_wait3A_134 : memref<1x128xi32, #tpu.memory_space<vmem>> -> memref<128xi32, #tpu.memory_space<vmem>>
      %dma_wait3A_136 = arith.constant 0 : i32
      %dma_wait3A_137 = arith.constant 0 : i32
      %dma_wait3A_138 = tpu.memref_slice %arg2[%dma_wait3A_136, %dma_wait3A_137] : memref<10000x128xf32, #tpu.memory_space<hbm>> -> memref<10000x128xf32, #tpu.memory_space<hbm>>
      tpu.wait_indirect_dma semaphore(%arg14 : memref<!tpu.dma_semaphore, #tpu.memory_space<semaphore_mem>>) src(%dma_wait3A_138 : memref<10000x128xf32, #tpu.memory_space<hbm>>) dst(%arg12 : memref<128x128xf32, #tpu.memory_space<vmem>>)
      %add3A_139 = arith.constant 1 : i32
      %add3A_140 = arith.addi %mul3A_116, %add3A_139 : i32
      "tpu.region"() ({
        %run_scoped3A_149 = tpu.sem_alloc : memref<!tpu.dma_semaphore, #tpu.memory_space<semaphore_mem>>
        %dma_start3A_150 = arith.constant 0 : i32
        %dma_start3A_151 = tpu.memref_slice %arg10[%add3A_140, %dma_start3A_150] : memref<40x128xi32, #tpu.memory_space<vmem>> -> memref<1x128xi32, #tpu.memory_space<vmem>>
        %dma_start3A_152 = tpu.memref_squeeze %dma_start3A_151 : memref<1x128xi32, #tpu.memory_space<vmem>> -> memref<128xi32, #tpu.memory_space<vmem>>
        %dma_start3A_153 = arith.constant 0 : i32
        %dma_start3A_154 = arith.constant 0 : i32
        %dma_start3A_155 = tpu.memref_slice %arg15[%dma_start3A_153, %dma_start3A_154] : memref<10112x128xf32, #tpu.memory_space<vmem_shared>> -> memref<10112x128xf32, #tpu.memory_space<vmem_shared>>
        tpu.enqueue_indirect_dma source(%arg12 : memref<128x128xf32, #tpu.memory_space<vmem>>) target(%dma_start3A_155 : memref<10112x128xf32, #tpu.memory_space<vmem_shared>>) offsets(%dma_start3A_152 : memref<128xi32, #tpu.memory_space<vmem>>) semaphore(%run_scoped3A_149 : memref<!tpu.dma_semaphore, #tpu.memory_space<semaphore_mem>>) {add = true}
        %dma_wait3A_156 = arith.constant 0 : i32
        %dma_wait3A_157 = tpu.memref_slice %arg10[%add3A_140, %dma_wait3A_156] : memref<40x128xi32, #tpu.memory_space<vmem>> -> memref<1x128xi32, #tpu.memory_space<vmem>>
        %dma_wait3A_158 = tpu.memref_squeeze %dma_wait3A_157 : memref<1x128xi32, #tpu.memory_space<vmem>> -> memref<128xi32, #tpu.memory_space<vmem>>
        %dma_wait3A_159 = arith.constant 0 : i32
        %dma_wait3A_160 = arith.constant 0 : i32
        %dma_wait3A_161 = tpu.memref_slice %arg15[%dma_wait3A_159, %dma_wait3A_160] : memref<10112x128xf32, #tpu.memory_space<vmem_shared>> -> memref<10112x128xf32, #tpu.memory_space<vmem_shared>>
        tpu.wait_indirect_dma semaphore(%run_scoped3A_149 : memref<!tpu.dma_semaphore, #tpu.memory_space<semaphore_mem>>) src(%arg12 : memref<128x128xf32, #tpu.memory_space<vmem>>) dst(%dma_wait3A_161 : memref<10112x128xf32, #tpu.memory_space<vmem_shared>>)
        tpu.yield
      }) : () -> ()
      %add3A_141 = arith.constant 3 : i32
      %add3A_142 = arith.addi %mul3A_116, %add3A_141 : i32
      %dma_start3A_143 = arith.constant 0 : i32
      %dma_start3A_144 = tpu.memref_slice %arg9[%add3A_142, %dma_start3A_143] : memref<40x128xi32, #tpu.memory_space<vmem>> -> memref<1x128xi32, #tpu.memory_space<vmem>>
      %dma_start3A_145 = tpu.memref_squeeze %dma_start3A_144 : memref<1x128xi32, #tpu.memory_space<vmem>> -> memref<128xi32, #tpu.memory_space<vmem>>
      %dma_start3A_146 = arith.constant 0 : i32
      %dma_start3A_147 = arith.constant 0 : i32
      %dma_start3A_148 = tpu.memref_slice %arg2[%dma_start3A_146, %dma_start3A_147] : memref<10000x128xf32, #tpu.memory_space<hbm>> -> memref<10000x128xf32, #tpu.memory_space<hbm>>
      tpu.enqueue_indirect_dma source(%dma_start3A_148 : memref<10000x128xf32, #tpu.memory_space<hbm>>) target(%arg12 : memref<128x128xf32, #tpu.memory_space<vmem>>) offsets(%dma_start3A_145 : memref<128xi32, #tpu.memory_space<vmem>>) semaphore(%arg14 : memref<!tpu.dma_semaphore, #tpu.memory_space<semaphore_mem>>)
    }
    %scan3A_86 = arith.constant 19 : i32
    %dma_wait3A_87 = arith.constant 38 : i32
    %dma_wait3A_88 = arith.constant 0 : i32
    %dma_wait3A_89 = tpu.memref_slice %arg9[%dma_wait3A_87, %dma_wait3A_88] : memref<40x128xi32, #tpu.memory_space<vmem>> -> memref<1x128xi32, #tpu.memory_space<vmem>>
    %dma_wait3A_90 = tpu.memref_squeeze %dma_wait3A_89 : memref<1x128xi32, #tpu.memory_space<vmem>> -> memref<128xi32, #tpu.memory_space<vmem>>
    %dma_wait3A_91 = arith.constant 0 : i32
    %dma_wait3A_92 = arith.constant 0 : i32
    %dma_wait3A_93 = tpu.memref_slice %arg2[%dma_wait3A_91, %dma_wait3A_92] : memref<10000x128xf32, #tpu.memory_space<hbm>> -> memref<10000x128xf32, #tpu.memory_space<hbm>>
    tpu.wait_indirect_dma semaphore(%arg13 : memref<!tpu.dma_semaphore, #tpu.memory_space<semaphore_mem>>) src(%dma_wait3A_93 : memref<10000x128xf32, #tpu.memory_space<hbm>>) dst(%arg11 : memref<128x128xf32, #tpu.memory_space<vmem>>)
    %run_scoped3A_94 = arith.constant 38 : i32
    "tpu.region"() ({
      %run_scoped3A_114 = tpu.sem_alloc : memref<!tpu.dma_semaphore, #tpu.memory_space<semaphore_mem>>
      %dma_start3A_115 = arith.constant 0 : i32
      %dma_start3A_116 = tpu.memref_slice %arg10[%run_scoped3A_94, %dma_start3A_115] : memref<40x128xi32, #tpu.memory_space<vmem>> -> memref<1x128xi32, #tpu.memory_space<vmem>>
      %dma_start3A_117 = tpu.memref_squeeze %dma_start3A_116 : memref<1x128xi32, #tpu.memory_space<vmem>> -> memref<128xi32, #tpu.memory_space<vmem>>
      %dma_start3A_118 = arith.constant 0 : i32
      %dma_start3A_119 = arith.constant 0 : i32
      %dma_start3A_120 = tpu.memref_slice %arg15[%dma_start3A_118, %dma_start3A_119] : memref<10112x128xf32, #tpu.memory_space<vmem_shared>> -> memref<10112x128xf32, #tpu.memory_space<vmem_shared>>
      tpu.enqueue_indirect_dma source(%arg11 : memref<128x128xf32, #tpu.memory_space<vmem>>) target(%dma_start3A_120 : memref<10112x128xf32, #tpu.memory_space<vmem_shared>>) offsets(%dma_start3A_117 : memref<128xi32, #tpu.memory_space<vmem>>) semaphore(%run_scoped3A_114 : memref<!tpu.dma_semaphore, #tpu.memory_space<semaphore_mem>>) {add = true}
      %dma_wait3A_121 = arith.constant 0 : i32
      %dma_wait3A_122 = tpu.memref_slice %arg10[%run_scoped3A_94, %dma_wait3A_121] : memref<40x128xi32, #tpu.memory_space<vmem>> -> memref<1x128xi32, #tpu.memory_space<vmem>>
      %dma_wait3A_123 = tpu.memref_squeeze %dma_wait3A_122 : memref<1x128xi32, #tpu.memory_space<vmem>> -> memref<128xi32, #tpu.memory_space<vmem>>
      %dma_wait3A_124 = arith.constant 0 : i32
      %dma_wait3A_125 = arith.constant 0 : i32
      %dma_wait3A_126 = tpu.memref_slice %arg15[%dma_wait3A_124, %dma_wait3A_125] : memref<10112x128xf32, #tpu.memory_space<vmem_shared>> -> memref<10112x128xf32, #tpu.memory_space<vmem_shared>>
      tpu.wait_indirect_dma semaphore(%run_scoped3A_114 : memref<!tpu.dma_semaphore, #tpu.memory_space<semaphore_mem>>) src(%arg11 : memref<128x128xf32, #tpu.memory_space<vmem>>) dst(%dma_wait3A_126 : memref<10112x128xf32, #tpu.memory_space<vmem_shared>>)
      tpu.yield
    }) : () -> ()
    %dma_wait3A_95 = arith.constant 39 : i32
    %dma_wait3A_96 = arith.constant 0 : i32
    %dma_wait3A_97 = tpu.memref_slice %arg9[%dma_wait3A_95, %dma_wait3A_96] : memref<40x128xi32, #tpu.memory_space<vmem>> -> memref<1x128xi32, #tpu.memory_space<vmem>>
    %dma_wait3A_98 = tpu.memref_squeeze %dma_wait3A_97 : memref<1x128xi32, #tpu.memory_space<vmem>> -> memref<128xi32, #tpu.memory_space<vmem>>
    %dma_wait3A_99 = arith.constant 0 : i32
    %dma_wait3A_100 = arith.constant 0 : i32
    %dma_wait3A_101 = tpu.memref_slice %arg2[%dma_wait3A_99, %dma_wait3A_100] : memref<10000x128xf32, #tpu.memory_space<hbm>> -> memref<10000x128xf32, #tpu.memory_space<hbm>>
    tpu.wait_indirect_dma semaphore(%arg14 : memref<!tpu.dma_semaphore, #tpu.memory_space<semaphore_mem>>) src(%dma_wait3A_101 : memref<10000x128xf32, #tpu.memory_space<hbm>>) dst(%arg12 : memref<128x128xf32, #tpu.memory_space<vmem>>)
    %run_scoped3A_102 = arith.constant 39 : i32
    "tpu.region"() ({
      %run_scoped3A_114 = tpu.sem_alloc : memref<!tpu.dma_semaphore, #tpu.memory_space<semaphore_mem>>
      %dma_start3A_115 = arith.constant 0 : i32
      %dma_start3A_116 = tpu.memref_slice %arg10[%run_scoped3A_102, %dma_start3A_115] : memref<40x128xi32, #tpu.memory_space<vmem>> -> memref<1x128xi32, #tpu.memory_space<vmem>>
      %dma_start3A_117 = tpu.memref_squeeze %dma_start3A_116 : memref<1x128xi32, #tpu.memory_space<vmem>> -> memref<128xi32, #tpu.memory_space<vmem>>
      %dma_start3A_118 = arith.constant 0 : i32
      %dma_start3A_119 = arith.constant 0 : i32
      %dma_start3A_120 = tpu.memref_slice %arg15[%dma_start3A_118, %dma_start3A_119] : memref<10112x128xf32, #tpu.memory_space<vmem_shared>> -> memref<10112x128xf32, #tpu.memory_space<vmem_shared>>
      tpu.enqueue_indirect_dma source(%arg12 : memref<128x128xf32, #tpu.memory_space<vmem>>) target(%dma_start3A_120 : memref<10112x128xf32, #tpu.memory_space<vmem_shared>>) offsets(%dma_start3A_117 : memref<128xi32, #tpu.memory_space<vmem>>) semaphore(%run_scoped3A_114 : memref<!tpu.dma_semaphore, #tpu.memory_space<semaphore_mem>>) {add = true}
      %dma_wait3A_121 = arith.constant 0 : i32
      %dma_wait3A_122 = tpu.memref_slice %arg10[%run_scoped3A_102, %dma_wait3A_121] : memref<40x128xi32, #tpu.memory_space<vmem>> -> memref<1x128xi32, #tpu.memory_space<vmem>>
      %dma_wait3A_123 = tpu.memref_squeeze %dma_wait3A_122 : memref<1x128xi32, #tpu.memory_space<vmem>> -> memref<128xi32, #tpu.memory_space<vmem>>
      %dma_wait3A_124 = arith.constant 0 : i32
      %dma_wait3A_125 = arith.constant 0 : i32
      %dma_wait3A_126 = tpu.memref_slice %arg15[%dma_wait3A_124, %dma_wait3A_125] : memref<10112x128xf32, #tpu.memory_space<vmem_shared>> -> memref<10112x128xf32, #tpu.memory_space<vmem_shared>>
      tpu.wait_indirect_dma semaphore(%run_scoped3A_114 : memref<!tpu.dma_semaphore, #tpu.memory_space<semaphore_mem>>) src(%arg12 : memref<128x128xf32, #tpu.memory_space<vmem>>) dst(%dma_wait3A_126 : memref<10112x128xf32, #tpu.memory_space<vmem_shared>>)
      tpu.yield
    }) : () -> ()
    %barrier3A_103 = arith.constant 0 : index
    tpu.barrier barrier_id(%barrier3A_103)
    %scan3A_104 = arith.constant 0 : i32
    %scan3A_105 = arith.constant 0 : i32
    %scan3A_106 = arith.constant 4 : i32
    %scan3A_107 = arith.addi %scan3A_105, %scan3A_106 : i32
    %scan3A_108 = arith.constant 1 : i32
    scf.for %scan3A_114 = %scan3A_105 to %scan3A_107 step %scan3A_108  : i32 {
      %mul3A_115 = arith.constant 128 : i32
      %mul3A_116 = arith.muli %scan3A_114, %mul3A_115 : i32
      %add3A_117 = arith.addi %mul3A_2, %mul3A_116 : i32
      "tpu.region"() ({
        %run_scoped3A_121 = tpu.sem_alloc : memref<!tpu.dma_semaphore, #tpu.memory_space<semaphore_mem>>
        %dma_start3A_122 = arith.constant 0 : i32
        %dma_start3A_123 = tpu.memref_slice %arg15[%add3A_117, %dma_start3A_122] : memref<10112x128xf32, #tpu.memory_space<vmem_shared>> -> memref<128x128xf32, #tpu.memory_space<vmem_shared>>
        %dma_start3A_124 = arith.constant 0 : i32
        %dma_start3A_125 = tpu.memref_slice %arg15[%add3A_117, %dma_start3A_124] : memref<10112x128xf32, #tpu.memory_space<vmem_shared>> -> memref<128x128xf32, #tpu.memory_space<vmem_shared>>
        tpu.enqueue_dma source(%dma_start3A_125 : memref<128x128xf32, #tpu.memory_space<vmem_shared>>) target(%arg11 : memref<128x128xf32, #tpu.memory_space<vmem>>) target_semaphore(%run_scoped3A_121 : memref<!tpu.dma_semaphore, #tpu.memory_space<semaphore_mem>>)
        %dma_wait3A_126 = arith.constant 0 : i32
        %dma_wait3A_127 = tpu.memref_slice %arg15[%add3A_117, %dma_wait3A_126] : memref<10112x128xf32, #tpu.memory_space<vmem_shared>> -> memref<128x128xf32, #tpu.memory_space<vmem_shared>>
        %dma_wait3A_128 = arith.constant 0 : i32
        %dma_wait3A_129 = tpu.memref_slice %arg15[%add3A_117, %dma_wait3A_128] : memref<10112x128xf32, #tpu.memory_space<vmem_shared>> -> memref<128x128xf32, #tpu.memory_space<vmem_shared>>
        tpu.wait_dma2 semaphore(%run_scoped3A_121 : memref<!tpu.dma_semaphore, #tpu.memory_space<semaphore_mem>>) src(%dma_wait3A_129 : memref<128x128xf32, #tpu.memory_space<vmem_shared>>) dst(%arg11 : memref<128x128xf32, #tpu.memory_space<vmem>>)
        tpu.yield
      }) : () -> ()
      %mul3A_118 = arith.constant 128 : i32
      %mul3A_119 = arith.muli %scan3A_114, %mul3A_118 : i32
      %add3A_120 = arith.addi %mul3A_2, %mul3A_119 : i32
      "tpu.region"() ({
        %run_scoped3A_121 = tpu.sem_alloc : memref<!tpu.dma_semaphore, #tpu.memory_space<semaphore_mem>>
        %dma_start3A_122 = arith.constant 0 : i32
        %dma_start3A_123 = tpu.memref_slice %arg8[%arg0, %add3A_120, %dma_start3A_122] : memref<2x10112x128xf32, #tpu.memory_space<hbm>> -> memref<1x128x128xf32, #tpu.memory_space<hbm>>
        %dma_start3A_124 = tpu.memref_squeeze %dma_start3A_123 : memref<1x128x128xf32, #tpu.memory_space<hbm>> -> memref<128x128xf32, #tpu.memory_space<hbm>>
        %dma_start3A_125 = arith.constant 0 : i32
        %dma_start3A_126 = tpu.memref_slice %arg8[%arg0, %add3A_120, %dma_start3A_125] : memref<2x10112x128xf32, #tpu.memory_space<hbm>> -> memref<1x128x128xf32, #tpu.memory_space<hbm>>
        %dma_start3A_127 = tpu.memref_squeeze %dma_start3A_126 : memref<1x128x128xf32, #tpu.memory_space<hbm>> -> memref<128x128xf32, #tpu.memory_space<hbm>>
        tpu.enqueue_dma source(%arg11 : memref<128x128xf32, #tpu.memory_space<vmem>>) target(%dma_start3A_127 : memref<128x128xf32, #tpu.memory_space<hbm>>) target_semaphore(%run_scoped3A_121 : memref<!tpu.dma_semaphore, #tpu.memory_space<semaphore_mem>>)
        %dma_wait3A_128 = arith.constant 0 : i32
        %dma_wait3A_129 = tpu.memref_slice %arg8[%arg0, %add3A_120, %dma_wait3A_128] : memref<2x10112x128xf32, #tpu.memory_space<hbm>> -> memref<1x128x128xf32, #tpu.memory_space<hbm>>
        %dma_wait3A_130 = tpu.memref_squeeze %dma_wait3A_129 : memref<1x128x128xf32, #tpu.memory_space<hbm>> -> memref<128x128xf32, #tpu.memory_space<hbm>>
        %dma_wait3A_131 = arith.constant 0 : i32
        %dma_wait3A_132 = tpu.memref_slice %arg8[%arg0, %add3A_120, %dma_wait3A_131] : memref<2x10112x128xf32, #tpu.memory_space<hbm>> -> memref<1x128x128xf32, #tpu.memory_space<hbm>>
        %dma_wait3A_133 = tpu.memref_squeeze %dma_wait3A_132 : memref<1x128x128xf32, #tpu.memory_space<hbm>> -> memref<128x128xf32, #tpu.memory_space<hbm>>
        tpu.wait_dma2 semaphore(%run_scoped3A_121 : memref<!tpu.dma_semaphore, #tpu.memory_space<semaphore_mem>>) src(%arg11 : memref<128x128xf32, #tpu.memory_space<vmem>>) dst(%dma_wait3A_133 : memref<128x128xf32, #tpu.memory_space<hbm>>)
        tpu.yield
      }) : () -> ()
    }
    %scan3A_109 = arith.constant 4 : i32
    %add3A_110 = arith.constant 512 : i32
    %add3A_111 = arith.addi %mul3A_2, %add3A_110 : i32
    "tpu.region"() ({
      %run_scoped3A_114 = tpu.sem_alloc : memref<!tpu.dma_semaphore, #tpu.memory_space<semaphore_mem>>
      %dma_start3A_115 = arith.constant 0 : i32
      %dma_start3A_116 = arith.constant 0 : i32
      %dma_start3A_117 = tpu.memref_slice %arg11[%dma_start3A_115, %dma_start3A_116] : memref<128x128xf32, #tpu.memory_space<vmem>> -> memref<120x128xf32, #tpu.memory_space<vmem>>
      %dma_start3A_118 = arith.constant 0 : i32
      %dma_start3A_119 = tpu.memref_slice %arg15[%add3A_111, %dma_start3A_118] : memref<10112x128xf32, #tpu.memory_space<vmem_shared>> -> memref<120x128xf32, #tpu.memory_space<vmem_shared>>
      %dma_start3A_120 = arith.constant 0 : i32
      %dma_start3A_121 = arith.constant 0 : i32
      %dma_start3A_122 = tpu.memref_slice %arg11[%dma_start3A_120, %dma_start3A_121] : memref<128x128xf32, #tpu.memory_space<vmem>> -> memref<120x128xf32, #tpu.memory_space<vmem>>
      %dma_start3A_123 = arith.constant 0 : i32
      %dma_start3A_124 = tpu.memref_slice %arg15[%add3A_111, %dma_start3A_123] : memref<10112x128xf32, #tpu.memory_space<vmem_shared>> -> memref<120x128xf32, #tpu.memory_space<vmem_shared>>
      tpu.enqueue_dma source(%dma_start3A_124 : memref<120x128xf32, #tpu.memory_space<vmem_shared>>) target(%dma_start3A_122 : memref<120x128xf32, #tpu.memory_space<vmem>>) target_semaphore(%run_scoped3A_114 : memref<!tpu.dma_semaphore, #tpu.memory_space<semaphore_mem>>)
      %dma_wait3A_125 = arith.constant 0 : i32
      %dma_wait3A_126 = arith.constant 0 : i32
      %dma_wait3A_127 = tpu.memref_slice %arg11[%dma_wait3A_125, %dma_wait3A_126] : memref<128x128xf32, #tpu.memory_space<vmem>> -> memref<120x128xf32, #tpu.memory_space<vmem>>
      %dma_wait3A_128 = arith.constant 0 : i32
      %dma_wait3A_129 = tpu.memref_slice %arg15[%add3A_111, %dma_wait3A_128] : memref<10112x128xf32, #tpu.memory_space<vmem_shared>> -> memref<120x128xf32, #tpu.memory_space<vmem_shared>>
      %dma_wait3A_130 = arith.constant 0 : i32
      %dma_wait3A_131 = arith.constant 0 : i32
      %dma_wait3A_132 = tpu.memref_slice %arg11[%dma_wait3A_130, %dma_wait3A_131] : memref<128x128xf32, #tpu.memory_space<vmem>> -> memref<120x128xf32, #tpu.memory_space<vmem>>
      %dma_wait3A_133 = arith.constant 0 : i32
      %dma_wait3A_134 = tpu.memref_slice %arg15[%add3A_111, %dma_wait3A_133] : memref<10112x128xf32, #tpu.memory_space<vmem_shared>> -> memref<120x128xf32, #tpu.memory_space<vmem_shared>>
      tpu.wait_dma2 semaphore(%run_scoped3A_114 : memref<!tpu.dma_semaphore, #tpu.memory_space<semaphore_mem>>) src(%dma_wait3A_134 : memref<120x128xf32, #tpu.memory_space<vmem_shared>>) dst(%dma_wait3A_132 : memref<120x128xf32, #tpu.memory_space<vmem>>)
      tpu.yield
    }) : () -> ()
    %add3A_112 = arith.constant 512 : i32
    %add3A_113 = arith.addi %mul3A_2, %add3A_112 : i32
    "tpu.region"() ({
      %run_scoped3A_114 = tpu.sem_alloc : memref<!tpu.dma_semaphore, #tpu.memory_space<semaphore_mem>>
      %dma_start3A_115 = arith.constant 0 : i32
      %dma_start3A_116 = arith.constant 0 : i32
      %dma_start3A_117 = tpu.memref_slice %arg11[%dma_start3A_115, %dma_start3A_116] : memref<128x128xf32, #tpu.memory_space<vmem>> -> memref<120x128xf32, #tpu.memory_space<vmem>>
      %dma_start3A_118 = arith.constant 0 : i32
      %dma_start3A_119 = tpu.memref_slice %arg8[%arg0, %add3A_113, %dma_start3A_118] : memref<2x10112x128xf32, #tpu.memory_space<hbm>> -> memref<1x120x128xf32, #tpu.memory_space<hbm>>
      %dma_start3A_120 = tpu.memref_squeeze %dma_start3A_119 : memref<1x120x128xf32, #tpu.memory_space<hbm>> -> memref<120x128xf32, #tpu.memory_space<hbm>>
      %dma_start3A_121 = arith.constant 0 : i32
      %dma_start3A_122 = tpu.memref_slice %arg8[%arg0, %add3A_113, %dma_start3A_121] : memref<2x10112x128xf32, #tpu.memory_space<hbm>> -> memref<1x120x128xf32, #tpu.memory_space<hbm>>
      %dma_start3A_123 = tpu.memref_squeeze %dma_start3A_122 : memref<1x120x128xf32, #tpu.memory_space<hbm>> -> memref<120x128xf32, #tpu.memory_space<hbm>>
      %dma_start3A_124 = arith.constant 0 : i32
      %dma_start3A_125 = arith.constant 0 : i32
      %dma_start3A_126 = tpu.memref_slice %arg11[%dma_start3A_124, %dma_start3A_125] : memref<128x128xf32, #tpu.memory_space<vmem>> -> memref<120x128xf32, #tpu.memory_space<vmem>>
      tpu.enqueue_dma source(%dma_start3A_126 : memref<120x128xf32, #tpu.memory_space<vmem>>) target(%dma_start3A_123 : memref<120x128xf32, #tpu.memory_space<hbm>>) target_semaphore(%run_scoped3A_114 : memref<!tpu.dma_semaphore, #tpu.memory_space<semaphore_mem>>)
      %dma_wait3A_127 = arith.constant 0 : i32
      %dma_wait3A_128 = arith.constant 0 : i32
      %dma_wait3A_129 = tpu.memref_slice %arg11[%dma_wait3A_127, %dma_wait3A_128] : memref<128x128xf32, #tpu.memory_space<vmem>> -> memref<120x128xf32, #tpu.memory_space<vmem>>
      %dma_wait3A_130 = arith.constant 0 : i32
      %dma_wait3A_131 = tpu.memref_slice %arg8[%arg0, %add3A_113, %dma_wait3A_130] : memref<2x10112x128xf32, #tpu.memory_space<hbm>> -> memref<1x120x128xf32, #tpu.memory_space<hbm>>
      %dma_wait3A_132 = tpu.memref_squeeze %dma_wait3A_131 : memref<1x120x128xf32, #tpu.memory_space<hbm>> -> memref<120x128xf32, #tpu.memory_space<hbm>>
      %dma_wait3A_133 = arith.constant 0 : i32
      %dma_wait3A_134 = tpu.memref_slice %arg8[%arg0, %add3A_113, %dma_wait3A_133] : memref<2x10112x128xf32, #tpu.memory_space<hbm>> -> memref<1x120x128xf32, #tpu.memory_space<hbm>>
      %dma_wait3A_135 = tpu.memref_squeeze %dma_wait3A_134 : memref<1x120x128xf32, #tpu.memory_space<hbm>> -> memref<120x128xf32, #tpu.memory_space<hbm>>
      %dma_wait3A_136 = arith.constant 0 : i32
      %dma_wait3A_137 = arith.constant 0 : i32
      %dma_wait3A_138 = tpu.memref_slice %arg11[%dma_wait3A_136, %dma_wait3A_137] : memref<128x128xf32, #tpu.memory_space<vmem>> -> memref<120x128xf32, #tpu.memory_space<vmem>>
      tpu.wait_dma2 semaphore(%run_scoped3A_114 : memref<!tpu.dma_semaphore, #tpu.memory_space<semaphore_mem>>) src(%dma_wait3A_138 : memref<120x128xf32, #tpu.memory_space<vmem>>) dst(%dma_wait3A_135 : memref<120x128xf32, #tpu.memory_space<hbm>>)
      tpu.yield
    }) : () -> ()
    return
  }
}

module attributes {stable_mosaic.version = 14 : i64} {
  func.func @_tc_scale_body(%arg0: i32, %arg1: memref<1000x128xf32, #tpu.memory_space<vmem>>, %arg2: memref<128x128xf32, #tpu.memory_space<vmem>>, %arg3: memref<2x1000x1xf32, #tpu.memory_space<vmem>>, %arg4: memref<1000x128xf32, #tpu.memory_space<vmem>>, %arg5: memref<1000x1xf32, #tpu.memory_space<vmem>>) attributes {dimension_semantics = [#tpu.dimension_semantics<arbitrary>], iteration_bounds = array<i64: 10>, scalar_prefetch = 0 : i64, scratch_operands = 0 : i64, tpu.core_type = #tpu.core_type<tc>, window_params = [{transform_indices = @transform_0, window_bounds = array<i64: 1000, 128>}, {pipeline_mode = #tpu.pipeline_mode<synchronous>, transform_indices = @transform_1, window_bounds = array<i64: 128, 128>}, {transform_indices = @transform_2, window_bounds = array<i64: 2, 1000, 1>}, {transform_indices = @transform_3, window_bounds = array<i64: 1000, 128>}, {transform_indices = @transform_4, window_bounds = array<i64: 1000, 1>}]} {
    %get3A = arith.constant 0 : index
    %get3A_0 = arith.constant 0 : index
    %get3A_1 = arith.constant 0 : index
    %get3A_2 = vector.load %arg3[%get3A, %get3A_0, %get3A_1] : memref<2x1000x1xf32, #tpu.memory_space<vmem>>, vector<1x1000x1xf32>
    %get3A_3 = vector.shape_cast %get3A_2 : vector<1x1000x1xf32> to vector<1000x1xf32>
    %get3A_4 = arith.constant 1 : index
    %get3A_5 = arith.constant 0 : index
    %get3A_6 = arith.constant 0 : index
    %get3A_7 = vector.load %arg3[%get3A_4, %get3A_5, %get3A_6] : memref<2x1000x1xf32, #tpu.memory_space<vmem>>, vector<1x1000x1xf32>
    %get3A_8 = vector.shape_cast %get3A_7 : vector<1x1000x1xf32> to vector<1000x1xf32>
    %add3A = arith.addf %get3A_3, %get3A_8 : vector<1000x1xf32>
    %add3A_9 = arith.constant 1.000000e+00 : f32
    %add3A_10 = vector.broadcast %add3A_9 : f32 to vector<1000x1xf32>
    %add3A_11 = arith.addf %add3A, %add3A_10 : vector<1000x1xf32>
    %rsqrt3A = math.rsqrt %add3A_11 : vector<1000x1xf32>
    %get3A_12 = arith.constant 0 : index
    %get3A_13 = arith.constant 0 : index
    %get3A_14 = vector.load %arg1[%get3A_12, %get3A_13] : memref<1000x128xf32, #tpu.memory_space<vmem>>, vector<1000x128xf32>
    %get3A_15 = arith.constant 0 : index
    %get3A_16 = arith.constant 0 : index
    %get3A_17 = vector.load %arg2[%get3A_15, %get3A_16] : memref<128x128xf32, #tpu.memory_space<vmem>>, vector<128x128xf32>
    %dot_general3A = arith.constant dense<0.000000e+00> : vector<1000x128xf32>
    %dot_general3A_18 = tpu.matmul %get3A_14, %get3A_17, %dot_general3A {dimension_numbers = #tpu.dot_dimension_numbers<[1], [0], [0], [1], [0, 0, 1, 1], [], []>, precision = #tpu.contract_precision<fp32>, transpose_lhs_hint = false} : vector<1000x128xf32>, vector<128x128xf32>, vector<1000x128xf32> -> vector<1000x128xf32>
    %mul3A = vector.broadcast %rsqrt3A : vector<1000x1xf32> to vector<1000x128xf32>
    %mul3A_19 = arith.mulf %dot_general3A_18, %mul3A : vector<1000x128xf32>
    %swap3A = arith.constant 0 : index
    %swap3A_20 = arith.constant 0 : index
    %swap3A_21 = vector.load %arg4[%swap3A, %swap3A_20] : memref<1000x128xf32, #tpu.memory_space<vmem>>, vector<1000x128xf32>
    tpu.vector_store %arg4[%swap3A, %swap3A_20], %mul3A_19 {strides = array<i32>} : memref<1000x128xf32, #tpu.memory_space<vmem>>, vector<1000x128xf32>,
    %swap3A_22 = arith.constant 0 : index
    %swap3A_23 = arith.constant 0 : index
    %swap3A_24 = vector.load %arg5[%swap3A_22, %swap3A_23] : memref<1000x1xf32, #tpu.memory_space<vmem>>, vector<1000x1xf32>
    tpu.vector_store %arg5[%swap3A_22, %swap3A_23], %rsqrt3A {strides = array<i32>} : memref<1000x1xf32, #tpu.memory_space<vmem>>, vector<1000x1xf32>,
    return
  }
  func.func @transform_0(%arg0: i32) -> (i32, i32) {
    %c0_i32 = arith.constant 0 : i32
    %c0_i32_0 = arith.constant 0 : i32
    return %arg0, %c0_i32 : i32, i32
  }
  func.func @transform_1(%arg0: i32) -> (i32, i32) {
    %c0_i32 = arith.constant 0 : i32
    %c0_i32_0 = arith.constant 0 : i32
    %c0_i32_1 = arith.constant 0 : i32
    return %c0_i32, %c0_i32_0 : i32, i32
  }
  func.func @transform_2(%arg0: i32) -> (i32, i32, i32) {
    %c0_i32 = arith.constant 0 : i32
    %c0_i32_0 = arith.constant 0 : i32
    %c0_i32_1 = arith.constant 0 : i32
    return %c0_i32, %arg0, %c0_i32_0 : i32, i32, i32
  }
  func.func @transform_3(%arg0: i32) -> (i32, i32) {
    %c0_i32 = arith.constant 0 : i32
    %c0_i32_0 = arith.constant 0 : i32
    return %arg0, %c0_i32 : i32, i32
  }
  func.func @transform_4(%arg0: i32) -> (i32, i32) {
    %c0_i32 = arith.constant 0 : i32
    %c0_i32_0 = arith.constant 0 : i32
    return %arg0, %c0_i32 : i32, i32
  }
}

module attributes {stable_mosaic.version = 14 : i64} {
  func.func @_tc_head_body(%arg0: i32, %arg1: memref<2x1000x128xf32, #tpu.memory_space<vmem>>, %arg2: memref<1000x128xf32, #tpu.memory_space<vmem>>, %arg3: memref<1000x1xf32, #tpu.memory_space<vmem>>, %arg4: memref<1000x128xf32, #tpu.memory_space<vmem>>, %arg5: memref<1x128xf32, #tpu.memory_space<vmem>>, %arg6: memref<128x256xf32, #tpu.memory_space<vmem>>, %arg7: memref<1x256xf32, #tpu.memory_space<vmem>>, %arg8: memref<256x256xf32, #tpu.memory_space<vmem>>, %arg9: memref<1x256xf32, #tpu.memory_space<vmem>>, %arg10: memref<256x1xf32, #tpu.memory_space<vmem>>, %arg11: memref<1x1xf32, #tpu.memory_space<vmem>>, %arg12: memref<1x1xf32, #tpu.memory_space<vmem>>, %arg13: memref<8x128xf32, #tpu.memory_space<vmem>>) attributes {dimension_semantics = [#tpu.dimension_semantics<arbitrary>], iteration_bounds = array<i64: 10>, scalar_prefetch = 0 : i64, scratch_operands = 1 : i64, tpu.core_type = #tpu.core_type<tc>, window_params = [{transform_indices = @transform_0, window_bounds = array<i64: 2, 1000, 128>}, {transform_indices = @transform_1, window_bounds = array<i64: 1000, 128>}, {transform_indices = @transform_2, window_bounds = array<i64: 1000, 1>}, {transform_indices = @transform_3, window_bounds = array<i64: 1000, 128>}, {pipeline_mode = #tpu.pipeline_mode<synchronous>, transform_indices = @transform_4, window_bounds = array<i64: 1, 128>}, {pipeline_mode = #tpu.pipeline_mode<synchronous>, transform_indices = @transform_5, window_bounds = array<i64: 128, 256>}, {pipeline_mode = #tpu.pipeline_mode<synchronous>, transform_indices = @transform_6, window_bounds = array<i64: 1, 256>}, {pipeline_mode = #tpu.pipeline_mode<synchronous>, transform_indices = @transform_7, window_bounds = array<i64: 256, 256>}, {pipeline_mode = #tpu.pipeline_mode<synchronous>, transform_indices = @transform_8, window_bounds = array<i64: 1, 256>}, {pipeline_mode = #tpu.pipeline_mode<synchronous>, transform_indices = @transform_9, window_bounds = array<i64: 256, 1>}, {pipeline_mode = #tpu.pipeline_mode<synchronous>, transform_indices = @transform_10, window_bounds = array<i64: 1, 1>}, {pipeline_mode = #tpu.pipeline_mode<synchronous>, transform_indices = @transform_11, window_bounds = array<i64: 1, 1>}]} {
    %get3A = arith.constant 0 : index
    %get3A_0 = arith.constant 0 : index
    %get3A_1 = arith.constant 0 : index
    %get3A_2 = vector.load %arg1[%get3A, %get3A_0, %get3A_1] : memref<2x1000x128xf32, #tpu.memory_space<vmem>>, vector<1x1000x128xf32>
    %get3A_3 = vector.shape_cast %get3A_2 : vector<1x1000x128xf32> to vector<1000x128xf32>
    %get3A_4 = arith.constant 1 : index
    %get3A_5 = arith.constant 0 : index
    %get3A_6 = arith.constant 0 : index
    %get3A_7 = vector.load %arg1[%get3A_4, %get3A_5, %get3A_6] : memref<2x1000x128xf32, #tpu.memory_space<vmem>>, vector<1x1000x128xf32>
    %get3A_8 = vector.shape_cast %get3A_7 : vector<1x1000x128xf32> to vector<1000x128xf32>
    %add3A = arith.addf %get3A_3, %get3A_8 : vector<1000x128xf32>
    %get3A_9 = arith.constant 0 : index
    %get3A_10 = arith.constant 0 : index
    %get3A_11 = vector.load %arg2[%get3A_9, %get3A_10] : memref<1000x128xf32, #tpu.memory_space<vmem>>, vector<1000x128xf32>
    %add3A_12 = arith.addf %add3A, %get3A_11 : vector<1000x128xf32>
    %get3A_13 = arith.constant 0 : index
    %get3A_14 = arith.constant 0 : index
    %get3A_15 = vector.load %arg3[%get3A_13, %get3A_14] : memref<1000x1xf32, #tpu.memory_space<vmem>>, vector<1000x1xf32>
    %mul3A = vector.broadcast %get3A_15 : vector<1000x1xf32> to vector<1000x128xf32>
    %mul3A_16 = arith.mulf %add3A_12, %mul3A : vector<1000x128xf32>
    %get3A_17 = arith.constant 0 : index
    %get3A_18 = arith.constant 0 : index
    %get3A_19 = vector.load %arg5[%get3A_17, %get3A_18] : memref<1x128xf32, #tpu.memory_space<vmem>>, vector<1x128xf32>
    %add3A_20 = vector.broadcast %get3A_19 : vector<1x128xf32> to vector<1000x128xf32>
    %add3A_21 = arith.addf %mul3A_16, %add3A_20 : vector<1000x128xf32>
    %max3A = arith.constant 0.000000e+00 : f32
    %max3A_22 = vector.broadcast %max3A : f32 to vector<1000x128xf32>
    %max3A_23 = arith.maximumf %add3A_21, %max3A_22 : vector<1000x128xf32>
    %get3A_24 = arith.constant 0 : index
    %get3A_25 = arith.constant 0 : index
    %get3A_26 = vector.load %arg4[%get3A_24, %get3A_25] : memref<1000x128xf32, #tpu.memory_space<vmem>>, vector<1000x128xf32>
    %add3A_27 = arith.addf %max3A_23, %get3A_26 : vector<1000x128xf32>
    %reduce_sum3A = arith.constant dense<0.000000e+00> : vector<128xf32>
    %reduce_sum3A_28 = vector.multi_reduction <add>, %add3A_27, %reduce_sum3A [0] : vector<1000x128xf32> to vector<128xf32>
    %broadcast_in_dim3A = vector.shape_cast %reduce_sum3A_28 : vector<128xf32> to vector<1x128xf32>
    %eq3A = arith.constant 0 : i32
    %eq3A_29 = arith.cmpi eq, %arg0, %eq3A : i32
    %convert_element_type3A = arith.extui %eq3A_29 : i1 to i32
    %cond3A = arith.constant 0 : i32
    %cond3A_30 = arith.cmpi ne, %convert_element_type3A, %cond3A : i32
    scf.if %cond3A_30 {
      %swap3A = arith.constant 0 : index
      %swap3A_40 = arith.constant 0 : index
      %swap3A_41 = vector.load %arg13[%swap3A, %swap3A_40] : memref<8x128xf32, #tpu.memory_space<vmem>>, vector<1x128xf32>
      tpu.vector_store %arg13[%swap3A, %swap3A_40], %broadcast_in_dim3A {strides = array<i32>} : memref<8x128xf32, #tpu.memory_space<vmem>>, vector<1x128xf32>,
    } else {
    }
    %gt3A = arith.constant 0 : i32
    %gt3A_31 = arith.cmpi sgt, %arg0, %gt3A : i32
    %convert_element_type3A_32 = arith.extui %gt3A_31 : i1 to i32
    %cond3A_33 = arith.constant 0 : i32
    %cond3A_34 = arith.cmpi ne, %convert_element_type3A_32, %cond3A_33 : i32
    scf.if %cond3A_34 {
      %get3A_40 = arith.constant 0 : index
      %get3A_41 = arith.constant 0 : index
      %get3A_42 = vector.load %arg13[%get3A_40, %get3A_41] : memref<8x128xf32, #tpu.memory_space<vmem>>, vector<1x128xf32>
      %add3A_43 = arith.addf %get3A_42, %broadcast_in_dim3A : vector<1x128xf32>
      %swap3A = arith.constant 0 : index
      %swap3A_44 = arith.constant 0 : index
      %swap3A_45 = vector.load %arg13[%swap3A, %swap3A_44] : memref<8x128xf32, #tpu.memory_space<vmem>>, vector<1x128xf32>
      tpu.vector_store %arg13[%swap3A, %swap3A_44], %add3A_43 {strides = array<i32>} : memref<8x128xf32, #tpu.memory_space<vmem>>, vector<1x128xf32>,
    } else {
    }
    %eq3A_35 = arith.constant 9 : i32
    %eq3A_36 = arith.cmpi eq, %arg0, %eq3A_35 : i32
    %convert_element_type3A_37 = arith.extui %eq3A_36 : i1 to i32
    %cond3A_38 = arith.constant 0 : i32
    %cond3A_39 = arith.cmpi ne, %convert_element_type3A_37, %cond3A_38 : i32
    scf.if %cond3A_39 {
      %get3A_40 = arith.constant 0 : index
      %get3A_41 = arith.constant 0 : index
      %get3A_42 = vector.load %arg13[%get3A_40, %get3A_41] : memref<8x128xf32, #tpu.memory_space<vmem>>, vector<1x128xf32>
      %get3A_43 = arith.constant 0 : index
      %get3A_44 = arith.constant 0 : index
      %get3A_45 = vector.load %arg6[%get3A_43, %get3A_44] : memref<128x256xf32, #tpu.memory_space<vmem>>, vector<128x256xf32>
      %dot_general3A = arith.constant dense<0.000000e+00> : vector<1x256xf32>
      %dot_general3A_46 = tpu.matmul %get3A_42, %get3A_45, %dot_general3A {dimension_numbers = #tpu.dot_dimension_numbers<[1], [0], [0], [1], [0, 0, 1, 1], [], []>, precision = #tpu.contract_precision<fp32>, transpose_lhs_hint = false} : vector<1x128xf32>, vector<128x256xf32>, vector<1x256xf32> -> vector<1x256xf32>
      %get3A_47 = arith.constant 0 : index
      %get3A_48 = arith.constant 0 : index
      %get3A_49 = vector.load %arg7[%get3A_47, %get3A_48] : memref<1x256xf32, #tpu.memory_space<vmem>>, vector<1x256xf32>
      %add3A_50 = arith.addf %dot_general3A_46, %get3A_49 : vector<1x256xf32>
      %max3A_51 = arith.constant 0.000000e+00 : f32
      %max3A_52 = vector.broadcast %max3A_51 : f32 to vector<1x256xf32>
      %max3A_53 = arith.maximumf %add3A_50, %max3A_52 : vector<1x256xf32>
      %get3A_54 = arith.constant 0 : index
      %get3A_55 = arith.constant 0 : index
      %get3A_56 = vector.load %arg8[%get3A_54, %get3A_55] : memref<256x256xf32, #tpu.memory_space<vmem>>, vector<256x256xf32>
      %dot_general3A_57 = arith.constant dense<0.000000e+00> : vector<1x256xf32>
      %dot_general3A_58 = tpu.matmul %max3A_53, %get3A_56, %dot_general3A_57 {dimension_numbers = #tpu.dot_dimension_numbers<[1], [0], [0], [1], [0, 0, 1, 1], [], []>, precision = #tpu.contract_precision<fp32>, transpose_lhs_hint = false} : vector<1x256xf32>, vector<256x256xf32>, vector<1x256xf32> -> vector<1x256xf32>
      %get3A_59 = arith.constant 0 : index
      %get3A_60 = arith.constant 0 : index
      %get3A_61 = vector.load %arg9[%get3A_59, %get3A_60] : memref<1x256xf32, #tpu.memory_space<vmem>>, vector<1x256xf32>
      %add3A_62 = arith.addf %dot_general3A_58, %get3A_61 : vector<1x256xf32>
      %max3A_63 = arith.constant 0.000000e+00 : f32
      %max3A_64 = vector.broadcast %max3A_63 : f32 to vector<1x256xf32>
      %max3A_65 = arith.maximumf %add3A_62, %max3A_64 : vector<1x256xf32>
      %get3A_66 = arith.constant 0 : index
      %get3A_67 = arith.constant 0 : index
      %get3A_68 = vector.load %arg10[%get3A_66, %get3A_67] : memref<256x1xf32, #tpu.memory_space<vmem>>, vector<256x1xf32>
      %dot_general3A_69 = arith.constant dense<0.000000e+00> : vector<1x1xf32>
      %dot_general3A_70 = tpu.matmul %max3A_65, %get3A_68, %dot_general3A_69 {dimension_numbers = #tpu.dot_dimension_numbers<[1], [0], [0], [1], [0, 0, 1, 1], [], []>, precision = #tpu.contract_precision<fp32>, transpose_lhs_hint = false} : vector<1x256xf32>, vector<256x1xf32>, vector<1x1xf32> -> vector<1x1xf32>
      %get3A_71 = arith.constant 0 : index
      %get3A_72 = arith.constant 0 : index
      %get3A_73 = vector.load %arg11[%get3A_71, %get3A_72] : memref<1x1xf32, #tpu.memory_space<vmem>>, vector<1x1xf32>
      %add3A_74 = arith.addf %dot_general3A_70, %get3A_73 : vector<1x1xf32>
      %swap3A = arith.constant 0 : index
      %swap3A_75 = arith.constant 0 : index
      %swap3A_76 = vector.load %arg12[%swap3A, %swap3A_75] : memref<1x1xf32, #tpu.memory_space<vmem>>, vector<1x1xf32>
      tpu.vector_store %arg12[%swap3A, %swap3A_75], %add3A_74 {strides = array<i32>} : memref<1x1xf32, #tpu.memory_space<vmem>>, vector<1x1xf32>,
    } else {
    }
    return
  }
  func.func @transform_0(%arg0: i32) -> (i32, i32, i32) {
    %c0_i32 = arith.constant 0 : i32
    %c0_i32_0 = arith.constant 0 : i32
    %c0_i32_1 = arith.constant 0 : i32
    return %c0_i32, %arg0, %c0_i32_0 : i32, i32, i32
  }
  func.func @transform_1(%arg0: i32) -> (i32, i32) {
    %c0_i32 = arith.constant 0 : i32
    %c0_i32_0 = arith.constant 0 : i32
    return %arg0, %c0_i32 : i32, i32
  }
  func.func @transform_2(%arg0: i32) -> (i32, i32) {
    %c0_i32 = arith.constant 0 : i32
    %c0_i32_0 = arith.constant 0 : i32
    return %arg0, %c0_i32 : i32, i32
  }
  func.func @transform_3(%arg0: i32) -> (i32, i32) {
    %c0_i32 = arith.constant 0 : i32
    %c0_i32_0 = arith.constant 0 : i32
    return %arg0, %c0_i32 : i32, i32
  }
  func.func @transform_4(%arg0: i32) -> (i32, i32) {
    %c0_i32 = arith.constant 0 : i32
    %c0_i32_0 = arith.constant 0 : i32
    %c0_i32_1 = arith.constant 0 : i32
    return %c0_i32, %c0_i32_0 : i32, i32
  }
  func.func @transform_5(%arg0: i32) -> (i32, i32) {
    %c0_i32 = arith.constant 0 : i32
    %c0_i32_0 = arith.constant 0 : i32
    %c0_i32_1 = arith.constant 0 : i32
    return %c0_i32, %c0_i32_0 : i32, i32
  }
  func.func @transform_6(%arg0: i32) -> (i32, i32) {
    %c0_i32 = arith.constant 0 : i32
    %c0_i32_0 = arith.constant 0 : i32
    %c0_i32_1 = arith.constant 0 : i32
    return %c0_i32, %c0_i32_0 : i32, i32
  }
  func.func @transform_7(%arg0: i32) -> (i32, i32) {
    %c0_i32 = arith.constant 0 : i32
    %c0_i32_0 = arith.constant 0 : i32
    %c0_i32_1 = arith.constant 0 : i32
    return %c0_i32, %c0_i32_0 : i32, i32
  }
  func.func @transform_8(%arg0: i32) -> (i32, i32) {
    %c0_i32 = arith.constant 0 : i32
    %c0_i32_0 = arith.constant 0 : i32
    %c0_i32_1 = arith.constant 0 : i32
    return %c0_i32, %c0_i32_0 : i32, i32
  }
  func.func @transform_9(%arg0: i32) -> (i32, i32) {
    %c0_i32 = arith.constant 0 : i32
    %c0_i32_0 = arith.constant 0 : i32
    %c0_i32_1 = arith.constant 0 : i32
    return %c0_i32, %c0_i32_0 : i32, i32
  }
  func.func @transform_10(%arg0: i32) -> (i32, i32) {
    %c0_i32 = arith.constant 0 : i32
    %c0_i32_0 = arith.constant 0 : i32
    %c0_i32_1 = arith.constant 0 : i32
    return %c0_i32, %c0_i32_0 : i32, i32
  }
  func.func @transform_11(%arg0: i32) -> (i32, i32) {
    %c0_i32 = arith.constant 0 : i32
    %c0_i32_0 = arith.constant 0 : i32
    %c0_i32_1 = arith.constant 0 : i32
    return %c0_i32, %c0_i32_0 : i32, i32
  }
}

</mosaic_0001>

<sc_bundles>
// kernel: kernel.6.cloned.1.call-start
scs
__scs_entry_jumppad:
0x0: {  	(pc) =	sbr.rel $0x88, $3  }
0x1: {  	(tag) =	ssettag $0x0;
	lr =	simm.s32 $0x1  }
0x2: {  	[smem:$0x3F97] =	sst lr;
	_ =	strace $0xD0000000  }
0x3: {  	_ = 	snop  }
0x4: {  	_ = 	snop  }
0x5: {  	_ = 	snop  }
0x6: {  	_ = 	snop  }
0x7: {  	_ = 	snop  }
__scs_overlays_trampoline_lowered:
0x8: {  	[smem:$0x3FA6] =	sst s0  }
0x9: {  	[smem:$0x3FA7] =	sst s1  }
0xa: {  	[smem:$0x3FA8] =	sst s2  }
0xb: {  	[smem:$0x3FA9] =	sst s3  }
0xc: {  	[smem:$0x3FAA] =	sst s4  }
0xd: {  	[smem:$0x3FAB] =	sst s5  }
0xe: {  	[smem:$0x3FAC] =	sst s6  }
0xf: {  	[smem:$0x3FAD] =	sst s7  }
0x10: {  	[smem:$0x3FAE] =	sst s8  }
0x11: {  	[smem:$0x3FAF] =	sst s9;
	s0 =	simm.s32 @!p0 $0x0  }
0x12: {  	s1 =	sld [smem:$0x3F95];
	s0 =	simm.s32 @p0 $0x1  }
0x13: {  	[smem:$0x3FB0] =	sst s0;
	s0 =	simm.s32 @!p1 $0x0  }
0x14: {  	s2 =	sld [smem:$0x3F94];
	s0 =	simm.s32 @p1 $0x1  }
0x15: {  	[smem:$0x3FB1] =	sst s0;
	s0 =	simm.s32 @!p2 $0x0  }
0x16: {  	s3 =	sld [smem:$0x3FDB];
	s0 =	simm.s32 @p2 $0x1  }
0x17: {  	s4 =	simm.s32 $0x1BF5;
	[smem:$0x3FB3] =	sst s0  }
0x18: {  	s0 =	sld [smem:$0x3F96];
	_ =	swait.ge [sflag:s4], $0x0  }
0x19: {  	s7 =	sld [smem:$0x3F97]  }
0x1a: {  	s8 =	sadd.s32 $0xFFFFE003, lr  }
0x1b: {  	s9 =	sadd.s32 $0xFFFFFEF7, lr;
	s5 =	simm.s32 $0xFFFFFFFF;
	p2 =	slt.u32 s8, $0xFFFFF086  }
0x1c: {  	p1 =	slt.u32 s9, $0xF7A;
	s5 =	simm.s32 @!p2 $0x0  }
0x1d: {  	s5 =	simm.s32 @p1 $0x1;
	p0 =	seq.s32 s7, s2  }
0x1e: {  	s7 =	smul.u32 @!p0 $0xF7A, s2;
	p2 =	seq.s32 @!p0 s5, $0x0  }
0x1f: {  	s9 =	smul.u32 $0xF7A, s1;
	s8 =	simm.s32 @!p0 $0x1BF5;
	p2 =	por !p2, p0  }
0x20: {  	[sflag:s8] =	ssyncset.s32 @!p0 $0xFFFFF086;
	s6 =	sadd.s32 @!p0 s3, s7;
	s7 =	simm.s32 @!p0 $0x108  }
0x21: {  	s3 =	sadd.s32 s3, s9;
	s6 =	sadd.s32 @!p0 $0x88, s6;
	s7 =	simm.s32 @p2 $0x1082  }
0x22: {  	[simem:s7], [sflag:s8] =	dma.local @!p0 [hbm:s6], $0xF7A  }
0x23: {  	s9 =	sor.u32 $0xD0000000, s2;
	s6 =	simm.s32 $0x108;
	_ =	swait.ge @!p0 [sflag:s8], $0x0  }
0x24: {  	s3 =	sadd.s32 $0x88, s3;
	s6 =	simm.s32 @!p1 $0x1082;
	[sflag:s4] =	ssyncset.s32 $0xFFFFF086  }
0x25: {  	[simem:s6], [sflag:s4] =	dma.local [hbm:s3], $0xF7A  }
0x26: {  	[smem:$0x3F97] =	sst s1;
	(tag) =	ssettag s2;
	_ =	strace s9  }
0x27: {  	s1 =	sld [smem:$0x3FA7]  }
0x28: {  	s2 =	sld [smem:$0x3FA8]  }
0x29: {  	s4 =	sld [smem:$0x3FAA]  }
0x2a: {  	p0 =	seq.s32 s5, $0x0;
	s5 =	sld [smem:$0x3FAB]  }
0x2b: {  	s6 =	sld [smem:$0x3FAC]  }
0x2c: {  	s7 =	sld [smem:$0x3FAD]  }
0x2d: {  	s3 =	simm.s32 $0x108;
	s8 =	sld [smem:$0x3FAE]  }
0x2e: {  	s3 =	simm.s32 @!p0 $0x1082;
	s9 =	sld [smem:$0x3FAF]  }
0x2f: {  	lr =	sadd.s32 s0, s3;
	s0 =	sld [smem:$0x3FA6]  }
0x30: {  	s3 =	sld [smem:$0x3FA9]  }
0x31: {  	[smem:$0x3FB2] =	sst s10  }
0x32: {  	s10 =	sld [smem:$0x3FB0];
	_ =	sdelay $0x3  }
0x33: {  	p0 =	seq.s32 s10, $0x1;
	s10 =	sld [smem:$0x3FB2];
	_ =	sdelay $0x3  }
0x34: {  	[smem:$0x3FB2] =	sst s10  }
0x35: {  	s10 =	sld [smem:$0x3FB1];
	_ =	sdelay $0x3  }
0x36: {  	p1 =	seq.s32 s10, $0x1;
	s10 =	sld [smem:$0x3FB2];
	_ =	sdelay $0x3  }
0x37: {  	[smem:$0x3FB2] =	sst s10  }
0x38: {  	s10 =	sld [smem:$0x3FB3]  }
0x39: {  	_ = 	snop;
	(pc) =	sbr.ind lr, $3  }
0x3a: {  	_ = 	snop  }
0x3b: {  	_ = 	snop  }
0x3c: {  	p2 =	seq.s32 s10, $0x1;
	s10 =	sld [smem:$0x3FB2]  }
0x3d: {  	_ =	shalt  }
0x3e: {  	_ =	shalt  }
0x3f: {  	_ =	shalt  }
0x40: {  	_ =	shalt  }
0x41: {  	_ =	shalt  }
0x42: {  	_ =	shalt  }
0x43: {  	_ =	shalt  }
0x44: {  	_ =	shalt  }
0x45: {  	_ =	shalt  }
0x46: {  	_ =	shalt  }
0x47: {  	_ =	shalt  }
0x48: {  	_ =	shalt  }
0x49: {  	_ =	shalt  }
0x4a: {  	_ =	shalt  }
0x4b: {  	_ =	shalt  }
0x4c: {  	_ =	shalt  }
0x4d: {  	_ =	shalt  }
0x4e: {  	_ =	shalt  }
0x4f: {  	_ =	shalt  }
0x50: {  	_ =	shalt  }
0x51: {  	_ =	shalt  }
0x52: {  	_ =	shalt  }
0x53: {  	_ =	shalt  }
0x54: {  	_ =	shalt  }
0x55: {  	_ =	shalt  }
0x56: {  	_ =	shalt  }
0x57: {  	_ =	shalt  }
0x58: {  	_ =	shalt  }
0x59: {  	_ =	shalt  }
0x5a: {  	_ =	shalt  }
0x5b: {  	_ =	shalt  }
0x5c: {  	_ =	shalt  }
0x5d: {  	_ =	shalt  }
0x5e: {  	_ =	shalt  }
0x5f: {  	_ =	shalt  }
0x60: {  	_ =	shalt  }
0x61: {  	_ =	shalt  }
0x62: {  	_ =	shalt  }
0x63: {  	_ =	shalt  }
0x64: {  	_ =	shalt  }
0x65: {  	_ =	shalt  }
0x66: {  	_ =	shalt  }
0x67: {  	_ =	shalt  }
0x68: {  	_ =	shalt  }
0x69: {  	_ =	shalt  }
0x6a: {  	_ =	shalt  }
0x6b: {  	_ =	shalt  }
0x6c: {  	_ =	shalt  }
0x6d: {  	_ =	shalt  }
0x6e: {  	_ =	shalt  }
0x6f: {  	_ =	shalt  }
0x70: {  	_ =	shalt  }
0x71: {  	_ =	shalt  }
0x72: {  	_ =	shalt  }
0x73: {  	_ =	shalt  }
0x74: {  	_ =	shalt  }
0x75: {  	_ =	shalt  }
0x76: {  	_ =	shalt  }
0x77: {  	_ =	shalt  }
0x78: {  	_ =	shalt  }
0x79: {  	_ =	shalt  }
0x7a: {  	_ =	shalt  }
0x7b: {  	_ =	shalt  }
0x7c: {  	_ =	shalt  }
0x7d: {  	_ =	shalt  }
0x7e: {  	_ =	shalt  }
0x7f: {  	_ =	shalt  }
0x80: {  	_ =	shalt  }
0x81: {  	_ =	shalt  }
0x82: {  	_ =	shalt  }
0x83: {  	_ =	shalt  }
0x84: {  	_ =	shalt  }
0x85: {  	_ =	shalt  }
0x86: {  	_ =	shalt  }
0x87: {  	_ =	shalt  }
.Lfunc_end0:
.L_simem_size_0:
called_computation_lowered:
.L_overlay_start_0:
0x88: {  	s2 =	sld [smem:$0x3FD9]  }
0x89: {  	s3 =	sld [smem:$0x3FFE];
	_ =	sdelay $0x1  }
0x8a: {  	s1 =	srdreg.scid  }
0x8b: {  	s0 =	sand.u32 $0x1, s1  }
0x8c: {  	s16 =	sshll.u32 s0, $0xA;
	s2 =	sadd.s32 s3, s2  }
0x8d: {  	s2 =	sadd.s32 s2, s16  }
0x8e: {  	[smem:$0x3FBE] =	sst s2  }
0x8f: {  	_ = 	snop  }
0x90: {  	(tm) =	ssettm $0x1  }
0x91: {  	s17 =	sld [smem:$0x3FFB];
	_ =	sdelay $0x3  }
0x92: {  	_ =	strace s17  }
0x93: {  	s2 =	sld [smem:$0x3FFC];
	_ =	sdelay $0x3  }
0x94: {  	_ =	strace s2  }
0x95: {  	s2 =	sld [smem:$0x3FFD];
	_ =	sdelay $0x3  }
0x96: {  	_ =	strace s2  }
0x97: {  	_ =	strace $0x8FFFFFFF  }
0x98: {  	s18 =	sld [smem:$0x3FDB];
	_ =	sdelay $0x1  }
0x99: {  	s19 =	simm.s32 $_scs_section_size  }
0x9a: {  	s4 =	simm.s32 $_size__tile_overlayer_lowered;
	s5 =	simm.s32 $_tile_overlayer_lowered  }
0x9b: {  	s22 =	simm.s32 $0x1BFF;
	s21 =	sshll.u32 s5, $0x1;
	s2 =	sadd.s32 s19, s18  }
0x9c: {  	s6 =	simm.s32 $0x0;
	s20 =	sshll.u32 s4, $0x1;
	s4 =	sadd.s32 s21, s2  }
0x9d: {  	[timem:s6], [sflag:s22] =	dma.local [hbm:s4], s20  }
0x9e: {  	_ =	swait.ge [sflag:s22], s20  }
0x9f: {  	s3 =	ssub.s32 $0x0, s20;
	[sflag:s22] =	ssyncset.done $0x0  }
0xa0: {  	[sflag:s22] =	ssyncadd.s32 s3;
	_ =	sdelay $0x1  }
0xa1: {  	s23 =	simm.s32 $0x1B8B  }
0xa2: {  	_ =	swait.ge [sflag:s23], $0x1  }
0xa3: {  	[sflag:s23] =	ssyncset.done $0x0  }
0xa4: {  	s25 =	simm.s32 $0x1B8E;
	s24 =	sld [smem:$0x3FFE];
	[sflag:s23] =	ssyncadd.s32 $0xFFFFFFFF  }
0xa5: {  	s26 =	simm.s32 $execute0_lowered;
	[smem:$0x3FD2] =	sst s25  }
0xa6: {  	s4 =	sshll.u32 s26, $0x1;
	_ =	strace $0x80000046;
	[dreg:$0x1] =	wrdreg $0xFFFFFFFF  }
0xa7: {  	s28 =	simm.s32 $_size_execute0_lowered;
	s2 =	sadd.s32 s2, s4;
	[dreg:$0x0] =	wrdreg $0x0  }
0xa8: {  	s4 =	sshll.u32 s28, $0x1;
	[dreg:$0x2] =	wrdreg s2  }
0xa9: {  	[dreg:$0x3] =	wrdreg s4  }
0xaa: {  	[dreg:$0x4] =	wrdreg $0xC0  }
0xab: {  	_ =	task [dreg:s6], $0x5FFFF  }
0xac: {  	[dreg:$0x1] =	wrdreg $0xFFFFFFFF  }
0xad: {  	[dreg:$0x0] =	wrdreg $0x60  }
0xae: {  	[dreg:$0x2] =	wrdreg s24  }
0xaf: {  	[dreg:$0x3] =	wrdreg $0x2B000  }
0xb0: {  	[dreg:$0x4] =	wrdreg $0x9  }
0xb1: {  	_ =	task.clear_ibuf [dreg:s6], $0x5FFFF;
	_ =	strace $0x90000046  }
0xb2: {  	s29 =	simm.s32 $0x9;
	_ =	strace $0x80000048  }
0xb3: {  	_ =	swait.ge [sflag:s29], $0x1  }
0xb4: {  	[sflag:s29] =	ssyncadd.s32 $0xFFFFFFFF  }
0xb5: {  	_ =	strace $0x90000048  }
0xb6: {  	_ =	sfence  }
0xb7: {  	s30 =	sld [smem:$0x0];
	_ =	sdelay $0x2  }
0xb8: {  	s31 =	sshll.u32 s1, $0xD;
	s1 =	sshrl.u32 s1, $0x2  }
0xb9: {  	s3 =	sand.u32 $0x4000, s31;
	s1 =	sadd.s32 s1, s30  }
0xba: {  	s0 =	sor.u32 s3, s0;
	s1 =	sshll.u32 s1, $0x11  }
0xbb: {  	s0 =	sor.u32 s1, s0  }
0xbc: {  	s0 =	sadd.s32 $0x8F2B, s0  }
0xbd: {  	[sflag:s0] =	ssyncadd.remote.s32 $0x1  }
0xbe: {  	_ =	sfence.sel $0xFFFF  }
0xbf: {  	[dreg:$0x0] =	wrdreg $0xFFFFFFFF;
	(pc) =	sbr.abs _section_cstart, $3  }
0xc0: {  	[dreg:$0x1] =	wrdreg $0xFFFFFFFF  }
0xc1: {  	_ =	task.clear_ibuf [dreg:s6], $0x2FFFF;
	_ =	strace $0x9FFFFFFF  }
0xc2: {  	(tm) =	ssettm $0x7FFFFFFF  }
0xc3: {  	_ =	shalt  }
tec
execute0_lowered:
.L_overlay_start_1:
0x0: {  	(tag) =	ssettag $0x1  }
0x1: {  	s6 =	rddreg [dreg:$0x0]  }
0x2: {  	s2 =	rddreg [dreg:$0x1]  }
0x3: {  	s0 =	rddreg [dreg:$0x2];
	s3 =	srdreg.scid  }
0x4: {  	s1 =	stileid.u32;
	s13 =	simm.s32 $0x2800;
	s14 =	simm.s32 $0x1  }
0x5: {  	s15 =	simm.s32 $0x0;
	s4 =	sand.u32 $0x1, s3;
	s5 =	sshll.u32 s1, $0x1  }
0x6: {  	s7 =	smul.u32 $0x278, s1;
	s3 =	simm.s32 $0x0;
	s10 =	sor.u32 s4, s5  }
0x7: {  	s31 =	smul.u32 $0x2780, s4;
	[smem:$0x7FF] =	sst s3;
	s9 =	ssub.s32 $0x2, s4  }
0x8: {  	s4 =	sadd.s32 $0x16000, s6;
	s8 =	smul.u32 $0x500, s10;
	_ =	strace $0x80000047  }
0x9: {  	s11 =	sshrl.u32 s9, $0x1;
	p0 =	seq.s32 s10, $0x1F;
	s10 =	simm.s32 $0x2880  }
0xa: {  	s5 =	sadd.s32 s7, s31;
	s9 =	ssub.s32 s9, s11;
	s7 =	sadd.s32 s7, s2  }
0xb: {  	s11 =	simm.s32 $0x2;
	s8 =	sadd.s32 s8, s6;
	s5 =	sshrl.u32 s5, $0x3  }
0xc: {  	s9 =	smax.u32 s9, $0x1;
	s12 =	sadd.s32 s5, s6;
	s5 =	sadd.s32 $0xC400, s8  }
0xd: {  	v0 =	vimm.f32 $1.000000000e+00;
	v1 =	vimm.f32 $0.0e+00;
	s6 =	sadd.s32 $0x15F00, s6;
	s8 =	sadd.s32 $0x16800, s12;
	s12 =	simm.s32 $0x80  }
.LBB2_1:
0xe: {  	s16 =	simm.s32 @p0 $0x0;
	s17 =	simm.s32 @p0 $0x2  }
0xf: {  	[tilespmem:s16], [sflag:$0x2] =	stream.linear.gather @p0 [hbm4b:s6+s16], $0x800, $0x38;
	[tilespmem:$0x2D78] =	vst v63  }
0x10: {  	_ =	swait.ge @p0 [sflag:s17], $0x800  }
0x11: {  	[sflag:s17] =	ssyncset.done @p0 $0x0  }
0x12: {  	s18 =	simm.s32 @p0 $0x800;
	[sflag:s17] =	ssyncadd.s32 @p0 $0xFFFFF800  }
0x13: {  	[tilespmem:s18], [sflag:$0x2] =	stream.linear.gather @p0 [hbm4b:s4+s16], $0x2000, $0x38;
	[tilespmem:$0x2D78] =	vst v63  }
0x14: {  	_ =	swait.ge @p0 [sflag:s17], $0x2000  }
0x15: {  	[sflag:s17] =	ssyncset.done @p0 $0x0  }
0x16: {  	s16 =	simm.s32 @!p0 $0x0;
	[sflag:s17] =	ssyncadd.s32 @p0 $0xFFFFE000  }
0x17: {  	[tilespmem:s16], [sflag:$0x2] =	stream.linear.gather @!p0 [hbm4b:s5+s16], $0x2800, $0x38;
	[tilespmem:$0x2D78] =	vst v63  }
0x18: {  	s16 =	simm.s32 @!p0 $0x2  }
0x19: {  	_ =	swait.ge @!p0 [sflag:s16], $0x2800  }
0x1a: {  	[sflag:s16] =	ssyncset.done @!p0 $0x0  }
0x1b: {  	[sflag:s16] =	ssyncadd.s32 @!p0 $0xFFFFD800  }
0x1c: {  	[tilespmem:$0x2800] =	vst v0  }
0x1d: {  	[tilespmem:$0x2810] =	vst v0  }
0x1e: {  	[tilespmem:$0x2820] =	vst v0  }
0x1f: {  	[tilespmem:$0x2830] =	vst v0  }
0x20: {  	[tilespmem:$0x2840] =	vst v0  }
0x21: {  	[tilespmem:$0x2850] =	vst v0  }
0x22: {  	[tilespmem:$0x2860] =	vst v0  }
0x23: {  	s17 =	simm.s32 $0x0;
	s16 =	simm.s32 $0x20;
	[tilespmem:$0x2870] =	vst v0  }
.LBB2_2:
0x24: {  	p1 =	sne.s32 s16, $0x9A0;
	[tilespmem:s17+$0x2880] =	vst v1;
	s17 =	smov.u32 s16;
	s16 =	sadd.s32 $0x20, s16  }
.Ltmp0:
0x25: {  	(pc) =	sbr.rel @p1 .LBB2_2-.Ltmp0, $2  }
0x26: {  	_ =	sdelay $0x2  }
0x27: {  	s17 =	sshra.s32 s17, $0x2  }
0x28: {  	[tilespmem:s17+$0x2880] =	vst v1  }
0x29: {  	[spmem:s7] =	stream.linear.scatter [tilespmem:s10], [sflag:$0x2], $0x278, $0x38;
	[tilespmem:$0x2D78] =	vst v63  }
0x2a: {  	_ =	swait.ge [sflag:s11], $0x278  }
0x2b: {  	[sflag:s11] =	ssyncset.done $0x0  }
0x2c: {  	[sflag:s11] =	ssyncadd.s32 $0xFFFFFD88  }
0x2d: {  	s16 =	simm.s32 $0x0;
	[bflag:$0x0] =	sbarrier.arrive $0xFFFF  }
.LBB2_4:
0x2e: {  	p1 =	sne.s32 s16, $0x9E00  }
.Ltmp1:
0x2f: {  	_ = 	snop;
	(pc) =	sbr.rel @p1 .LBB2_4-.Ltmp1, $3  }
0x30: {  	_ =	sdelay $0x1  }
0x31: {  	s17 =	sshra.s32 s16, $0x2;
	s16 =	sadd.s32 $0x200, s16  }
0x32: {  	[spmem:s2] =	stream.indirect.scatter.add.f32 [tilespmem:s13], [sflag:$0x1], $0x1, s17, s12, $0xb8;
	[tilespmem:$0x2D78] =	vst v63  }
0x33: {  	_ =	swait.ge [sflag:s14], $0x80  }
0x34: {  	s16 =	simm.s32 $0x4F;
	[sflag:s14] =	ssyncset.done $0x0  }
.LBB2_6:
0x35: {  	p1 =	sne.s32 s16, $0x1;
	s16 =	sadd.s32 $0xFFFFFFFF, s16;
	[sflag:s14] =	ssyncadd.s32 $0xFFFFFF80  }
.Ltmp2:
0x36: {  	(pc) =	sbr.rel @p1 .LBB2_6-.Ltmp2, $3  }
0x37: {  	_ =	sdelay $0x1  }
0x38: {  	_ =	swait.ge [sflag:s14], $0x80  }
0x39: {  	[sflag:s14] =	ssyncset.done $0x0  }
0x3a: {  	[sflag:s14] =	ssyncadd.s32 $0xFFFFFF80  }
0x3b: {  	[bflag:$0x0] =	sbarrier.arrive $0xFFFF  }
0x3c: {  	[tilespmem:s10], [sflag:$0x2] =	stream.linear.gather [spmem:s7], $0x278, $0x38;
	[tilespmem:$0x2D78] =	vst v63  }
0x3d: {  	s15 =	sadd.s32 $0x1, s15;
	_ =	swait.ge [sflag:s11], $0x278  }
0x3e: {  	p1 =	sne.s32 s15, s9;
	[sflag:s11] =	ssyncset.done $0x0  }
.Ltmp3:
0x3f: {  	[sflag:s11] =	ssyncadd.s32 $0xFFFFFD88;
	(pc) =	sbr.rel @p1 .LBB2_1-.Ltmp3, $4  }
0x40: {  	[hbm4b:s8+s3] =	stream.linear.scatter [tilespmem:s10], [sflag:$0x2], $0x278, $0x38;
	[tilespmem:$0x2D78] =	vst v63  }
0x41: {  	_ =	swait.ge [sflag:s11], $0x278  }
0x42: {  	[sflag:s11] =	ssyncset.done $0x0  }
0x43: {  	[sflag:s11] =	ssyncadd.s32 $0xFFFFFD88  }
0x44: {  	_ =	sfence.sel $0x180000  }
0x45: {  	[bflag:$0x0] =	sbarrier.arrive $0xFFFF  }
0x46: {  	p0 =	sne.s32 s1, $0x0;
	_ =	strace $0x90000047  }
0x47: {  	s0 =	sadd.s32 @!p0 $0x100000, s0;
	[bflag:$0x2] =	sbarrier.arrive $0xFFFF  }
0x48: {  	[sflag:s0] =	ssyncadd.tile.s32 @!p0 $0x1;
	_ =	shalt  }
.Lfunc_end2:
_tile_overlayer_lowered:
.L_overlay_start_2:
0x49: {  	(tag) =	ssettag $0x2  }
0x4a: {  	s0 =	rddreg [dreg:$0x0];
	s2 =	stileid.u32  }
0x4b: {  	s1 =	rddreg [dreg:$0x1];
	p0 =	sne.s32 s2, $0x0  }
0x4c: {  	s3 =	rddreg [dreg:$0x2];
	[bflag:$0x3] =	sbarrier.arrive $0xFFFF;
	s2 =	simm.s32 @!p0 $0x1C02  }
0x4d: {  	[timem:s3], [sflag:s2] =	dma.local @!p0 [hbm:s0], s1  }
0x4e: {  	s0 =	simm.s32 @!p0 $0x2  }
0x4f: {  	_ =	swait.ge @!p0 [sflag:s0], s1  }
0x50: {  	s1 =	ssub.s32 @!p0 $0x0, s1;
	[sflag:s0] =	ssyncset.done @!p0 $0x0  }
0x51: {  	[sflag:s0] =	ssyncadd.s32 @!p0 s1  }
0x52: {  	[bflag:$0x3] =	sbarrier.arrive $0xFFFF  }
0x53: {  	_ =	shalt  }

// kernel: kernel.9.cloned.1.call-start
scs
__scs_entry_jumppad:
0x0: {  	(pc) =	sbr.rel $0x88, $3  }
0x1: {  	(tag) =	ssettag $0x0;
	lr =	simm.s32 $0x1  }
0x2: {  	[smem:$0x3F97] =	sst lr;
	_ =	strace $0xD0000000  }
0x3: {  	_ = 	snop  }
0x4: {  	_ = 	snop  }
0x5: {  	_ = 	snop  }
0x6: {  	_ = 	snop  }
0x7: {  	_ = 	snop  }
__scs_overlays_trampoline_lowered:
0x8: {  	[smem:$0x3FA6] =	sst s0  }
0x9: {  	[smem:$0x3FA7] =	sst s1  }
0xa: {  	[smem:$0x3FA8] =	sst s2  }
0xb: {  	[smem:$0x3FA9] =	sst s3  }
0xc: {  	[smem:$0x3FAA] =	sst s4  }
0xd: {  	[smem:$0x3FAB] =	sst s5  }
0xe: {  	[smem:$0x3FAC] =	sst s6  }
0xf: {  	[smem:$0x3FAD] =	sst s7  }
0x10: {  	[smem:$0x3FAE] =	sst s8  }
0x11: {  	[smem:$0x3FAF] =	sst s9;
	s0 =	simm.s32 @!p0 $0x0  }
0x12: {  	s1 =	sld [smem:$0x3F95];
	s0 =	simm.s32 @p0 $0x1  }
0x13: {  	[smem:$0x3FB0] =	sst s0;
	s0 =	simm.s32 @!p1 $0x0  }
0x14: {  	s2 =	sld [smem:$0x3F94];
	s0 =	simm.s32 @p1 $0x1  }
0x15: {  	[smem:$0x3FB1] =	sst s0;
	s0 =	simm.s32 @!p2 $0x0  }
0x16: {  	s3 =	sld [smem:$0x3FDB];
	s0 =	simm.s32 @p2 $0x1  }
0x17: {  	s4 =	simm.s32 $0x1BF5;
	[smem:$0x3FB3] =	sst s0  }
0x18: {  	s0 =	sld [smem:$0x3F96];
	_ =	swait.ge [sflag:s4], $0x0  }
0x19: {  	s7 =	sld [smem:$0x3F97]  }
0x1a: {  	s8 =	sadd.s32 $0xFFFFE003, lr  }
0x1b: {  	s9 =	sadd.s32 $0xFFFFFEF7, lr;
	s5 =	simm.s32 $0xFFFFFFFF;
	p2 =	slt.u32 s8, $0xFFFFF086  }
0x1c: {  	p1 =	slt.u32 s9, $0xF7A;
	s5 =	simm.s32 @!p2 $0x0  }
0x1d: {  	s5 =	simm.s32 @p1 $0x1;
	p0 =	seq.s32 s7, s2  }
0x1e: {  	s7 =	smul.u32 @!p0 $0xF7A, s2;
	p2 =	seq.s32 @!p0 s5, $0x0  }
0x1f: {  	s9 =	smul.u32 $0xF7A, s1;
	s8 =	simm.s32 @!p0 $0x1BF5;
	p2 =	por !p2, p0  }
0x20: {  	[sflag:s8] =	ssyncset.s32 @!p0 $0xFFFFF086;
	s6 =	sadd.s32 @!p0 s3, s7;
	s7 =	simm.s32 @!p0 $0x108  }
0x21: {  	s3 =	sadd.s32 s3, s9;
	s6 =	sadd.s32 @!p0 $0x88, s6;
	s7 =	simm.s32 @p2 $0x1082  }
0x22: {  	[simem:s7], [sflag:s8] =	dma.local @!p0 [hbm:s6], $0xF7A  }
0x23: {  	s9 =	sor.u32 $0xD0000000, s2;
	s6 =	simm.s32 $0x108;
	_ =	swait.ge @!p0 [sflag:s8], $0x0  }
0x24: {  	s3 =	sadd.s32 $0x88, s3;
	s6 =	simm.s32 @!p1 $0x1082;
	[sflag:s4] =	ssyncset.s32 $0xFFFFF086  }
0x25: {  	[simem:s6], [sflag:s4] =	dma.local [hbm:s3], $0xF7A  }
0x26: {  	[smem:$0x3F97] =	sst s1;
	(tag) =	ssettag s2;
	_ =	strace s9  }
0x27: {  	s1 =	sld [smem:$0x3FA7]  }
0x28: {  	s2 =	sld [smem:$0x3FA8]  }
0x29: {  	s4 =	sld [smem:$0x3FAA]  }
0x2a: {  	p0 =	seq.s32 s5, $0x0;
	s5 =	sld [smem:$0x3FAB]  }
0x2b: {  	s6 =	sld [smem:$0x3FAC]  }
0x2c: {  	s7 =	sld [smem:$0x3FAD]  }
0x2d: {  	s3 =	simm.s32 $0x108;
	s8 =	sld [smem:$0x3FAE]  }
0x2e: {  	s3 =	simm.s32 @!p0 $0x1082;
	s9 =	sld [smem:$0x3FAF]  }
0x2f: {  	lr =	sadd.s32 s0, s3;
	s0 =	sld [smem:$0x3FA6]  }
0x30: {  	s3 =	sld [smem:$0x3FA9]  }
0x31: {  	[smem:$0x3FB2] =	sst s10  }
0x32: {  	s10 =	sld [smem:$0x3FB0];
	_ =	sdelay $0x3  }
0x33: {  	p0 =	seq.s32 s10, $0x1;
	s10 =	sld [smem:$0x3FB2];
	_ =	sdelay $0x3  }
0x34: {  	[smem:$0x3FB2] =	sst s10  }
0x35: {  	s10 =	sld [smem:$0x3FB1];
	_ =	sdelay $0x3  }
0x36: {  	p1 =	seq.s32 s10, $0x1;
	s10 =	sld [smem:$0x3FB2];
	_ =	sdelay $0x3  }
0x37: {  	[smem:$0x3FB2] =	sst s10  }
0x38: {  	s10 =	sld [smem:$0x3FB3]  }
0x39: {  	_ = 	snop;
	(pc) =	sbr.ind lr, $3  }
0x3a: {  	_ = 	snop  }
0x3b: {  	_ = 	snop  }
0x3c: {  	p2 =	seq.s32 s10, $0x1;
	s10 =	sld [smem:$0x3FB2]  }
0x3d: {  	_ =	shalt  }
0x3e: {  	_ =	shalt  }
0x3f: {  	_ =	shalt  }
0x40: {  	_ =	shalt  }
0x41: {  	_ =	shalt  }
0x42: {  	_ =	shalt  }
0x43: {  	_ =	shalt  }
0x44: {  	_ =	shalt  }
0x45: {  	_ =	shalt  }
0x46: {  	_ =	shalt  }
0x47: {  	_ =	shalt  }
0x48: {  	_ =	shalt  }
0x49: {  	_ =	shalt  }
0x4a: {  	_ =	shalt  }
0x4b: {  	_ =	shalt  }
0x4c: {  	_ =	shalt  }
0x4d: {  	_ =	shalt  }
0x4e: {  	_ =	shalt  }
0x4f: {  	_ =	shalt  }
0x50: {  	_ =	shalt  }
0x51: {  	_ =	shalt  }
0x52: {  	_ =	shalt  }
0x53: {  	_ =	shalt  }
0x54: {  	_ =	shalt  }
0x55: {  	_ =	shalt  }
0x56: {  	_ =	shalt  }
0x57: {  	_ =	shalt  }
0x58: {  	_ =	shalt  }
0x59: {  	_ =	shalt  }
0x5a: {  	_ =	shalt  }
0x5b: {  	_ =	shalt  }
0x5c: {  	_ =	shalt  }
0x5d: {  	_ =	shalt  }
0x5e: {  	_ =	shalt  }
0x5f: {  	_ =	shalt  }
0x60: {  	_ =	shalt  }
0x61: {  	_ =	shalt  }
0x62: {  	_ =	shalt  }
0x63: {  	_ =	shalt  }
0x64: {  	_ =	shalt  }
0x65: {  	_ =	shalt  }
0x66: {  	_ =	shalt  }
0x67: {  	_ =	shalt  }
0x68: {  	_ =	shalt  }
0x69: {  	_ =	shalt  }
0x6a: {  	_ =	shalt  }
0x6b: {  	_ =	shalt  }
0x6c: {  	_ =	shalt  }
0x6d: {  	_ =	shalt  }
0x6e: {  	_ =	shalt  }
0x6f: {  	_ =	shalt  }
0x70: {  	_ =	shalt  }
0x71: {  	_ =	shalt  }
0x72: {  	_ =	shalt  }
0x73: {  	_ =	shalt  }
0x74: {  	_ =	shalt  }
0x75: {  	_ =	shalt  }
0x76: {  	_ =	shalt  }
0x77: {  	_ =	shalt  }
0x78: {  	_ =	shalt  }
0x79: {  	_ =	shalt  }
0x7a: {  	_ =	shalt  }
0x7b: {  	_ =	shalt  }
0x7c: {  	_ =	shalt  }
0x7d: {  	_ =	shalt  }
0x7e: {  	_ =	shalt  }
0x7f: {  	_ =	shalt  }
0x80: {  	_ =	shalt  }
0x81: {  	_ =	shalt  }
0x82: {  	_ =	shalt  }
0x83: {  	_ =	shalt  }
0x84: {  	_ =	shalt  }
0x85: {  	_ =	shalt  }
0x86: {  	_ =	shalt  }
0x87: {  	_ =	shalt  }
.Lfunc_end0:
.L_simem_size_0:
called_computation.1_lowered:
.L_overlay_start_0:
0x88: {  	s2 =	sld [smem:$0x3FD9]  }
0x89: {  	s3 =	sld [smem:$0x3FFE];
	_ =	sdelay $0x1  }
0x8a: {  	s1 =	srdreg.scid  }
0x8b: {  	s0 =	sand.u32 $0x1, s1  }
0x8c: {  	s16 =	sshll.u32 s0, $0xA;
	s2 =	sadd.s32 s3, s2  }
0x8d: {  	s2 =	sadd.s32 s2, s16  }
0x8e: {  	[smem:$0x3FBE] =	sst s2  }
0x8f: {  	_ = 	snop  }
0x90: {  	(tm) =	ssettm $0x1  }
0x91: {  	s17 =	sld [smem:$0x3FFB];
	_ =	sdelay $0x3  }
0x92: {  	_ =	strace s17  }
0x93: {  	s2 =	sld [smem:$0x3FFC];
	_ =	sdelay $0x3  }
0x94: {  	_ =	strace s2  }
0x95: {  	s2 =	sld [smem:$0x3FFD];
	_ =	sdelay $0x3  }
0x96: {  	_ =	strace s2  }
0x97: {  	_ =	strace $0x8FFFFFFF  }
0x98: {  	s18 =	sld [smem:$0x3FDB];
	_ =	sdelay $0x1  }
0x99: {  	s19 =	simm.s32 $_scs_section_size  }
0x9a: {  	s4 =	simm.s32 $_size__tile_overlayer_lowered;
	s5 =	simm.s32 $_tile_overlayer_lowered  }
0x9b: {  	s22 =	simm.s32 $0x1BFF;
	s21 =	sshll.u32 s5, $0x1;
	s2 =	sadd.s32 s19, s18  }
0x9c: {  	s6 =	simm.s32 $0x0;
	s20 =	sshll.u32 s4, $0x1;
	s4 =	sadd.s32 s21, s2  }
0x9d: {  	[timem:s6], [sflag:s22] =	dma.local [hbm:s4], s20  }
0x9e: {  	_ =	swait.ge [sflag:s22], s20  }
0x9f: {  	s3 =	ssub.s32 $0x0, s20;
	[sflag:s22] =	ssyncset.done $0x0  }
0xa0: {  	[sflag:s22] =	ssyncadd.s32 s3;
	_ =	sdelay $0x1  }
0xa1: {  	s23 =	simm.s32 $0x1B8B  }
0xa2: {  	_ =	swait.ge [sflag:s23], $0x1  }
0xa3: {  	[sflag:s23] =	ssyncset.done $0x0  }
0xa4: {  	s25 =	simm.s32 $0x1B8E;
	s24 =	sld [smem:$0x3FFE];
	[sflag:s23] =	ssyncadd.s32 $0xFFFFFFFF  }
0xa5: {  	s26 =	simm.s32 $execute0_lowered;
	[smem:$0x3FD2] =	sst s25  }
0xa6: {  	s4 =	sshll.u32 s26, $0x1;
	_ =	strace $0x80000049;
	[dreg:$0x1] =	wrdreg $0xFFFFFFFF  }
0xa7: {  	s28 =	simm.s32 $_size_execute0_lowered;
	s2 =	sadd.s32 s2, s4;
	[dreg:$0x0] =	wrdreg $0x0  }
0xa8: {  	s4 =	sshll.u32 s28, $0x1;
	[dreg:$0x2] =	wrdreg s2  }
0xa9: {  	[dreg:$0x3] =	wrdreg s4  }
0xaa: {  	[dreg:$0x4] =	wrdreg $0xC0  }
0xab: {  	_ =	task [dreg:s6], $0x5FFFF  }
0xac: {  	[dreg:$0x1] =	wrdreg $0xFFFFFFFF  }
0xad: {  	[dreg:$0x0] =	wrdreg $0x60  }
0xae: {  	[dreg:$0x2] =	wrdreg s24  }
0xaf: {  	[dreg:$0x3] =	wrdreg $0xA8000  }
0xb0: {  	[dreg:$0x4] =	wrdreg $0x9  }
0xb1: {  	_ =	task.clear_ibuf [dreg:s6], $0x5FFFF;
	_ =	strace $0x90000049  }
0xb2: {  	s29 =	simm.s32 $0x9;
	_ =	strace $0x8000004B  }
0xb3: {  	_ =	swait.ge [sflag:s29], $0x1  }
0xb4: {  	[sflag:s29] =	ssyncadd.s32 $0xFFFFFFFF  }
0xb5: {  	_ =	strace $0x9000004B  }
0xb6: {  	_ =	sfence  }
0xb7: {  	s30 =	sld [smem:$0x0];
	_ =	sdelay $0x2  }
0xb8: {  	s31 =	sshll.u32 s1, $0xD;
	s1 =	sshrl.u32 s1, $0x2  }
0xb9: {  	s3 =	sand.u32 $0x4000, s31;
	s1 =	sadd.s32 s1, s30  }
0xba: {  	s0 =	sor.u32 s3, s0;
	s1 =	sshll.u32 s1, $0x11  }
0xbb: {  	s0 =	sor.u32 s1, s0  }
0xbc: {  	s0 =	sadd.s32 $0x8F2B, s0  }
0xbd: {  	[sflag:s0] =	ssyncadd.remote.s32 $0x1  }
0xbe: {  	_ =	sfence.sel $0xFFFF  }
0xbf: {  	[dreg:$0x0] =	wrdreg $0xFFFFFFFF;
	(pc) =	sbr.abs _section_cstart, $3  }
0xc0: {  	[dreg:$0x1] =	wrdreg $0xFFFFFFFF  }
0xc1: {  	_ =	task.clear_ibuf [dreg:s6], $0x2FFFF;
	_ =	strace $0x9FFFFFFF  }
0xc2: {  	(tm) =	ssettm $0x7FFFFFFF  }
0xc3: {  	_ =	shalt  }
tec
execute0_lowered:
.L_overlay_start_1:
0x0: {  	(tag) =	ssettag $0x1  }
0x1: {  	s0 =	rddreg [dreg:$0x0]  }
0x2: {  	s1 =	rddreg [dreg:$0x1];
	s2 =	simm.s32 $0x0  }
0x3: {  	s15 =	srdreg.scid;
	s12 =	stileid.u32;
	s29 =	simm.s32 $0x2800  }
0x4: {  	s30 =	simm.s32 $0x3;
	s31 =	simm.s32 $0x80;
	[smem:$0x7FF] =	sst s2  }
0x5: {  	s3 =	sadd.s32 $0x16800, s0;
	s4 =	sadd.s32 $0x2800, s0;
	s5 =	sadd.s32 $0x16400, s0  }
0x6: {  	s26 =	sadd.s32 $0xC400, s0;
	s6 =	sadd.s32 $0x16000, s0;
	s7 =	sadd.s32 $0x3DA00, s0  }
0x7: {  	s9 =	smul.u32 $0x4F000, s12;
	_ =	strace $0x8000004A;
	[dreg:$0x3] =	wrdreg s5  }
0x8: {  	s8 =	sshll.u32 s12, $0x1;
	s12 =	smul.u32 $0x13C00, s12;
	[dreg:$0x4] =	wrdreg s6  }
0x9: {  	s22 =	sadd.s32 $0xC300, s0;
	[dreg:$0x5] =	wrdreg s7;
	s6 =	sand.u32 $0x1, s15  }
0xa: {  	s19 =	sadd.s32 $0x3E200, s0;
	[dreg:$0x8] =	wrdreg s22;
	s16 =	ssub.s32 $0x2, s6  }
0xb: {  	s11 =	sor.u32 s6, s8;
	s18 =	sshrl.u32 s9, $0x2;
	s6 =	smul.u32 $0x13C000, s6  }
0xc: {  	s14 =	sadd.s32 $0x10000, s12;
	s15 =	sadd.s32 $0x8000, s12;
	s17 =	smul.u32 $0x500, s11  }
0xd: {  	s10 =	sshrl.u32 s16, $0x1;
	s13 =	smul.u32 $0x2800, s11;
	s8 =	sadd.s32 s18, s1  }
0xe: {  	s9 =	sadd.s32 s14, s1;
	p0 =	seq.s32 s11, $0x1F;
	s7 =	ssub.s32 s16, s10  }
0xf: {  	s24 =	sadd.s32 s6, s14;
	s25 =	sadd.s32 s6, s12;
	s16 =	sadd.s32 $0xC000, s12  }
0x10: {  	s22 =	sadd.s32 $0x4000, s8;
	s28 =	sadd.s32 $0xC000, s8;
	s20 =	sadd.s32 s4, s17  }
0x11: {  	s21 =	sshrl.u32 s13, $0x3;
	s10 =	sadd.s32 s26, s17;
	[dreg:$0x6] =	wrdreg s20  }
0x12: {  	[dreg:$0x7] =	wrdreg s10;
	s23 =	sadd.s32 $0x280, s21;
	s10 =	sadd.s32 $0x4000, s12  }
0x13: {  	s20 =	sadd.s32 $0x15F00, s0;
	s21 =	smax.u32 s7, $0x1;
	s7 =	simm.s32 $0x2780  }
0x14: {  	s13 =	sadd.s32 s4, s23;
	s14 =	sadd.s32 s26, s23;
	s4 =	sshrl.u32 s24, $0x3  }
0x15: {  	s26 =	sshrl.u32 s25, $0x3;
	s11 =	sadd.s32 s6, s10;
	s25 =	sadd.s32 s6, s15  }
0x16: {  	s6 =	sadd.s32 s6, s16;
	s23 =	sadd.s32 s10, s1;
	s24 =	sadd.s32 s15, s1  }
0x17: {  	s10 =	simm.s32 $0x0;
	s4 =	sadd.s32 s19, s4;
	s5 =	sadd.s32 s19, s26  }
0x18: {  	s26 =	sshrl.u32 s25, $0x3;
	s6 =	sshrl.u32 s6, $0x3;
	[dreg:$0x9] =	wrdreg s4  }
0x19: {  	s25 =	sadd.s32 s16, s1;
	[dreg:$0xa] =	wrdreg s5;
	s5 =	sshrl.u32 s11, $0x3  }
0x1a: {  	s18 =	sadd.s32 s19, s26;
	s26 =	sadd.s32 $0x8000, s8;
	s4 =	simm.s32 $0x2  }
0x1b: {  	s17 =	sadd.s32 s19, s5;
	s19 =	sadd.s32 s19, s6;
	s5 =	sadd.s32 $0x16580, s0  }
0x1c: {  	s0 =	sadd.s32 $0x16180, s0;
	s6 =	simm.s32 $0x2700;
	s13 =	smov.u32 @p0 s5  }
0x1d: {  	s14 =	smov.u32 @p0 s0;
	s0 =	simm.s32 $0x6800;
	s5 =	simm.s32 $0x1  }
.LBB2_1:
0x1e: {  	s11 =	rddreg [dreg:$0x5]  }
0x1f: {  	[tilespmem:s29], [sflag:$0x3] =	stream.linear.gather [hbm4b:s11+s2], $0x4000, $0x38;
	[tilespmem:$0x1E400] =	vst v63  }
0x20: {  	_ =	swait.ge [sflag:s30], $0x4000  }
0x21: {  	[sflag:s30] =	ssyncset.done $0x0  }
0x22: {  	[sflag:s30] =	ssyncadd.s32 $0xFFFFC000  }
0x23: {  	[spmem:s8] =	stream.linear.scatter [tilespmem:s29], [sflag:$0x3], $0x4000, $0x38;
	[tilespmem:$0x1E400] =	vst v63  }
0x24: {  	_ =	swait.ge [sflag:s30], $0x4000  }
0x25: {  	[sflag:s30] =	ssyncset.done $0x0  }
0x26: {  	[sflag:s30] =	ssyncadd.s32 $0xFFFFC000  }
0x27: {  	[spmem:s22] =	stream.linear.scatter [tilespmem:s29], [sflag:$0x3], $0x4000, $0x38;
	[tilespmem:$0x1E400] =	vst v63  }
0x28: {  	_ =	swait.ge [sflag:s30], $0x4000  }
0x29: {  	[sflag:s30] =	ssyncset.done $0x0  }
0x2a: {  	[sflag:s30] =	ssyncadd.s32 $0xFFFFC000  }
0x2b: {  	[spmem:s26] =	stream.linear.scatter [tilespmem:s29], [sflag:$0x3], $0x4000, $0x38;
	[tilespmem:$0x1E400] =	vst v63  }
0x2c: {  	_ =	swait.ge [sflag:s30], $0x4000  }
0x2d: {  	[sflag:s30] =	ssyncset.done $0x0  }
0x2e: {  	[sflag:s30] =	ssyncadd.s32 $0xFFFFC000  }
0x2f: {  	[spmem:s28] =	stream.linear.scatter [tilespmem:s29], [sflag:$0x3], $0x4000, $0x38;
	[tilespmem:$0x1E400] =	vst v63  }
0x30: {  	_ =	swait.ge [sflag:s30], $0x4000  }
0x31: {  	[sflag:s30] =	ssyncset.done $0x0  }
0x32: {  	[sflag:s30] =	ssyncadd.s32 $0xFFFFC000  }
0x33: {  	[spmem:s9] =	stream.linear.scatter [tilespmem:s29], [sflag:$0x3], $0x3C00, $0x38;
	[tilespmem:$0x1E400] =	vst v63  }
0x34: {  	_ =	swait.ge [sflag:s30], $0x3C00  }
0x35: {  	[sflag:s30] =	ssyncset.done $0x0  }
0x36: {  	[sflag:s30] =	ssyncadd.s32 $0xFFFFC400  }
0x37: {  	[bflag:$0x0] =	sbarrier.arrive $0xFFFF  }
0x38: {  	s11 =	simm.s32 @p0 $0x0;
	s12 =	rddreg [dreg:$0x8]  }
0x39: {  	[tilespmem:s11], [sflag:$0x3] =	stream.linear.gather @p0 [hbm4b:s12+s11], $0x800, $0x38;
	[tilespmem:$0x1E400] =	vst v63  }
0x3a: {  	s12 =	simm.s32 @p0 $0x3  }
0x3b: {  	_ =	swait.ge @p0 [sflag:s12], $0x800  }
0x3c: {  	[sflag:s12] =	ssyncset.done @p0 $0x0  }
0x3d: {  	s15 =	simm.s32 @p0 $0x800;
	s16 =	rddreg [dreg:$0x3];
	[sflag:s12] =	ssyncadd.s32 @p0 $0xFFFFF800  }
0x3e: {  	[tilespmem:s15], [sflag:$0x3] =	stream.linear.gather @p0 [hbm4b:s16+s11], $0xC00, $0x38;
	[tilespmem:$0x1E400] =	vst v63  }
0x3f: {  	_ =	swait.ge @p0 [sflag:s12], $0xC00  }
0x40: {  	[sflag:s12] =	ssyncset.done @p0 $0x0  }
0x41: {  	s15 =	simm.s32 @p0 $0x1400;
	[sflag:s12] =	ssyncadd.s32 @p0 $0xFFFFF400  }
0x42: {  	[tilespmem:s15], [sflag:$0x3] =	stream.linear.gather @p0 [hbm4b:s20+s11], $0x800, $0x38;
	[tilespmem:$0x1E400] =	vst v63  }
0x43: {  	_ =	swait.ge @p0 [sflag:s12], $0x800  }
0x44: {  	[sflag:s12] =	ssyncset.done @p0 $0x0  }
0x45: {  	s15 =	simm.s32 @p0 $0x1C00;
	s16 =	rddreg [dreg:$0x4];
	[sflag:s12] =	ssyncadd.s32 @p0 $0xFFFFF800  }
0x46: {  	[tilespmem:s15], [sflag:$0x3] =	stream.linear.gather @p0 [hbm4b:s16+s11], $0xC00, $0x38;
	[tilespmem:$0x1E400] =	vst v63  }
0x47: {  	_ =	swait.ge @p0 [sflag:s12], $0xC00  }
0x48: {  	[sflag:s12] =	ssyncset.done @p0 $0x0  }
0x49: {  	s11 =	simm.s32 @!p0 $0x0;
	[sflag:s12] =	ssyncadd.s32 @p0 $0xFFFFF400;
	s12 =	rddreg [dreg:$0x6]  }
0x4a: {  	[tilespmem:s11], [sflag:$0x3] =	stream.linear.gather @!p0 [hbm4b:s12+s11], $0x1400, $0x38;
	[tilespmem:$0x1E400] =	vst v63  }
0x4b: {  	s12 =	simm.s32 @!p0 $0x3  }
0x4c: {  	_ =	swait.ge @!p0 [sflag:s12], $0x1400  }
0x4d: {  	[sflag:s12] =	ssyncset.done @!p0 $0x0  }
0x4e: {  	s15 =	simm.s32 @!p0 $0x1400;
	s16 =	rddreg [dreg:$0x7];
	[sflag:s12] =	ssyncadd.s32 @!p0 $0xFFFFEC00  }
0x4f: {  	[tilespmem:s15], [sflag:$0x3] =	stream.linear.gather @!p0 [hbm4b:s16+s11], $0x1400, $0x38;
	[tilespmem:$0x1E400] =	vst v63  }
0x50: {  	_ =	swait.ge @!p0 [sflag:s12], $0x1400  }
0x51: {  	[sflag:s12] =	ssyncset.done @!p0 $0x0  }
0x52: {  	[sflag:s12] =	ssyncadd.s32 @!p0 $0xFFFFEC00  }
0x53: {  	[tilespmem:s29], [sflag:$0x1] =	stream.indirect.gather [hbm4b:s3+s31], $0x80, s2, s31, $0xb8;
	[tilespmem:$0x1E400] =	vst v63  }
0x54: {  	_ = 	snop  }
0x55: {  	[tilespmem:s0], [sflag:$0x2] =	stream.indirect.gather [hbm4b:s3+s31], $0x80, s31, s31, $0xb8;
	[tilespmem:$0x1E400] =	vst v63  }
0x56: {  	_ =	swait.ge [sflag:s5], $0x4000  }
0x57: {  	[sflag:s5] =	ssyncset.done $0x0  }
0x58: {  	s12 =	simm.s32 $0x1400;
	[sflag:s5] =	ssyncadd.s32 $0xFFFFC000  }
0x59: {  	[spmem:s1] =	stream.indirect.scatter.add.f32 [tilespmem:s29], [sflag:$0x3], $0x80, s12, s31, $0xb8;
	[tilespmem:$0x1E400] =	vst v63  }
0x5a: {  	_ =	swait.ge [sflag:s30], $0x4000  }
0x5b: {  	[sflag:s30] =	ssyncset.done $0x0  }
0x5c: {  	s15 =	simm.s32 $0x100;
	[sflag:s30] =	ssyncadd.s32 $0xFFFFC000  }
0x5d: {  	[tilespmem:s29], [sflag:$0x1] =	stream.indirect.gather [hbm4b:s3+s31], $0x80, s15, s31, $0xb8;
	[tilespmem:$0x1E400] =	vst v63  }
0x5e: {  	_ =	swait.ge [sflag:s4], $0x4000  }
0x5f: {  	[sflag:s4] =	ssyncset.done $0x0  }
0x60: {  	s16 =	simm.s32 $0x1480;
	[sflag:s4] =	ssyncadd.s32 $0xFFFFC000  }
0x61: {  	[spmem:s1] =	stream.indirect.scatter.add.f32 [tilespmem:s0], [sflag:$0x3], $0x80, s16, s31, $0xb8;
	[tilespmem:$0x1E400] =	vst v63  }
0x62: {  	_ =	swait.ge [sflag:s30], $0x4000  }
0x63: {  	[sflag:s30] =	ssyncset.done $0x0  }
0x64: {  	s11 =	simm.s32 $0x400;
	s12 =	simm.s32 $0x180;
	[sflag:s30] =	ssyncadd.s32 $0xFFFFC000  }
.LBB2_2:
0x65: {  	[tilespmem:s0], [sflag:$0x2] =	stream.indirect.gather [hbm4b:s3+s31], $0x80, s12, s31, $0xb8;
	[tilespmem:$0x1E400] =	vst v63  }
0x66: {  	s12 =	smov.u32 s11  }
0x67: {  	p1 =	sne.s32 s11, $0x4800;
	s11 =	sadd.s32 $0x400, s11;
	_ =	swait.ge [sflag:s5], $0x4000  }
0x68: {  	s12 =	sshra.s32 s12, $0x2;
	[sflag:s5] =	ssyncset.done $0x0  }
0x69: {  	s15 =	sadd.s32 $0x1400, s12;
	[sflag:s5] =	ssyncadd.s32 $0xFFFFC000  }
0x6a: {  	[spmem:s1] =	stream.indirect.scatter.add.f32 [tilespmem:s29], [sflag:$0x3], $0x80, s15, s31, $0xb8;
	[tilespmem:$0x1E400] =	vst v63  }
0x6b: {  	_ =	swait.ge [sflag:s30], $0x4000  }
0x6c: {  	[sflag:s30] =	ssyncset.done $0x0  }
0x6d: {  	s15 =	sadd.s32 $0x100, s12;
	[sflag:s30] =	ssyncadd.s32 $0xFFFFC000  }
0x6e: {  	[tilespmem:s29], [sflag:$0x1] =	stream.indirect.gather [hbm4b:s3+s31], $0x80, s15, s31, $0xb8;
	[tilespmem:$0x1E400] =	vst v63  }
0x6f: {  	_ =	swait.ge [sflag:s4], $0x4000  }
0x70: {  	[sflag:s4] =	ssyncset.done $0x0  }
.Ltmp0:
0x71: {  	s15 =	sadd.s32 $0x1480, s12;
	[sflag:s4] =	ssyncadd.s32 $0xFFFFC000;
	(pc) =	sbr.rel @p1 .LBB2_2-.Ltmp0, $4  }
0x72: {  	[spmem:s1] =	stream.indirect.scatter.add.f32 [tilespmem:s0], [sflag:$0x3], $0x80, s15, s31, $0xb8;
	[tilespmem:$0x1E400] =	vst v63  }
0x73: {  	_ =	swait.ge [sflag:s30], $0x4000  }
0x74: {  	[sflag:s30] =	ssyncset.done $0x0  }
0x75: {  	s12 =	sadd.s32 $0x180, s12;
	[sflag:s30] =	ssyncadd.s32 $0xFFFFC000  }
0x76: {  	[tilespmem:s0], [sflag:$0x2] =	stream.indirect.gather [hbm4b:s3+s31], $0x80, s12, s31, $0xb8;
	[tilespmem:$0x1E400] =	vst v63  }
0x77: {  	_ =	swait.ge [sflag:s5], $0x4000  }
0x78: {  	[sflag:s5] =	ssyncset.done $0x0  }
0x79: {  	[sflag:s5] =	ssyncadd.s32 $0xFFFFC000  }
0x7a: {  	[spmem:s1] =	stream.indirect.scatter.add.f32 [tilespmem:s29], [sflag:$0x3], $0x80, s6, s31, $0xb8;
	[tilespmem:$0x1E400] =	vst v63  }
0x7b: {  	_ =	swait.ge [sflag:s30], $0x4000  }
0x7c: {  	[sflag:s30] =	ssyncset.done $0x0  }
0x7d: {  	[sflag:s30] =	ssyncadd.s32 $0xFFFFC000  }
0x7e: {  	_ =	swait.ge [sflag:s4], $0x4000  }
0x7f: {  	[sflag:s4] =	ssyncset.done $0x0  }
0x80: {  	[sflag:s4] =	ssyncadd.s32 $0xFFFFC000  }
0x81: {  	[spmem:s1] =	stream.indirect.scatter.add.f32 [tilespmem:s0], [sflag:$0x3], $0x80, s7, s31, $0xb8;
	[tilespmem:$0x1E400] =	vst v63  }
0x82: {  	_ =	swait.ge [sflag:s30], $0x4000  }
0x83: {  	[sflag:s30] =	ssyncset.done $0x0  }
0x84: {  	s11 =	simm.s32 $0x0;
	[sflag:s30] =	ssyncadd.s32 $0xFFFFC000  }
0x85: {  	[tilespmem:s11], [sflag:$0x3] =	stream.linear.gather [hbm4b:s13+s11], $0x1400, $0x38;
	[tilespmem:$0x1E400] =	vst v63  }
0x86: {  	_ =	swait.ge [sflag:s30], $0x1400  }
0x87: {  	[sflag:s30] =	ssyncset.done $0x0  }
0x88: {  	s16 =	simm.s32 $0x1400;
	[sflag:s30] =	ssyncadd.s32 $0xFFFFEC00  }
0x89: {  	[tilespmem:s16], [sflag:$0x3] =	stream.linear.gather [hbm4b:s14+s11], $0x1400, $0x38;
	[tilespmem:$0x1E400] =	vst v63  }
0x8a: {  	_ =	swait.ge [sflag:s30], $0x1400  }
0x8b: {  	[sflag:s30] =	ssyncset.done $0x0  }
0x8c: {  	[sflag:s30] =	ssyncadd.s32 $0xFFFFEC00  }
0x8d: {  	[tilespmem:s29], [sflag:$0x1] =	stream.indirect.gather [hbm4b:s3+s31], $0x80, s11, s31, $0xb8;
	[tilespmem:$0x1E400] =	vst v63  }
0x8e: {  	_ = 	snop  }
0x8f: {  	[tilespmem:s0], [sflag:$0x2] =	stream.indirect.gather [hbm4b:s3+s31], $0x80, s31, s31, $0xb8;
	[tilespmem:$0x1E400] =	vst v63  }
0x90: {  	_ =	swait.ge [sflag:s5], $0x4000  }
0x91: {  	[sflag:s5] =	ssyncset.done $0x0  }
0x92: {  	s12 =	simm.s32 $0x1400;
	[sflag:s5] =	ssyncadd.s32 $0xFFFFC000  }
0x93: {  	[spmem:s1] =	stream.indirect.scatter.add.f32 [tilespmem:s29], [sflag:$0x3], $0x80, s12, s31, $0xb8;
	[tilespmem:$0x1E400] =	vst v63  }
0x94: {  	_ =	swait.ge [sflag:s30], $0x4000  }
0x95: {  	[sflag:s30] =	ssyncset.done $0x0  }
0x96: {  	s15 =	simm.s32 $0x100;
	[sflag:s30] =	ssyncadd.s32 $0xFFFFC000  }
0x97: {  	[tilespmem:s29], [sflag:$0x1] =	stream.indirect.gather [hbm4b:s3+s31], $0x80, s15, s31, $0xb8;
	[tilespmem:$0x1E400] =	vst v63  }
0x98: {  	_ =	swait.ge [sflag:s4], $0x4000  }
0x99: {  	[sflag:s4] =	ssyncset.done $0x0  }
0x9a: {  	s16 =	simm.s32 $0x1480;
	[sflag:s4] =	ssyncadd.s32 $0xFFFFC000  }
0x9b: {  	[spmem:s1] =	stream.indirect.scatter.add.f32 [tilespmem:s0], [sflag:$0x3], $0x80, s16, s31, $0xb8;
	[tilespmem:$0x1E400] =	vst v63  }
0x9c: {  	_ =	swait.ge [sflag:s30], $0x4000  }
0x9d: {  	[sflag:s30] =	ssyncset.done $0x0  }
0x9e: {  	s11 =	simm.s32 $0x400;
	s12 =	simm.s32 $0x180;
	[sflag:s30] =	ssyncadd.s32 $0xFFFFC000  }
.LBB2_4:
0x9f: {  	[tilespmem:s0], [sflag:$0x2] =	stream.indirect.gather [hbm4b:s3+s31], $0x80, s12, s31, $0xb8;
	[tilespmem:$0x1E400] =	vst v63  }
0xa0: {  	s12 =	smov.u32 s11  }
0xa1: {  	p1 =	sne.s32 s11, $0x4800;
	s11 =	sadd.s32 $0x400, s11;
	_ =	swait.ge [sflag:s5], $0x4000  }
0xa2: {  	s12 =	sshra.s32 s12, $0x2;
	[sflag:s5] =	ssyncset.done $0x0  }
0xa3: {  	s15 =	sadd.s32 $0x1400, s12;
	[sflag:s5] =	ssyncadd.s32 $0xFFFFC000  }
0xa4: {  	[spmem:s1] =	stream.indirect.scatter.add.f32 [tilespmem:s29], [sflag:$0x3], $0x80, s15, s31, $0xb8;
	[tilespmem:$0x1E400] =	vst v63  }
0xa5: {  	_ =	swait.ge [sflag:s30], $0x4000  }
0xa6: {  	[sflag:s30] =	ssyncset.done $0x0  }
0xa7: {  	s15 =	sadd.s32 $0x100, s12;
	[sflag:s30] =	ssyncadd.s32 $0xFFFFC000  }
0xa8: {  	[tilespmem:s29], [sflag:$0x1] =	stream.indirect.gather [hbm4b:s3+s31], $0x80, s15, s31, $0xb8;
	[tilespmem:$0x1E400] =	vst v63  }
0xa9: {  	_ =	swait.ge [sflag:s4], $0x4000  }
0xaa: {  	[sflag:s4] =	ssyncset.done $0x0  }
.Ltmp1:
0xab: {  	s15 =	sadd.s32 $0x1480, s12;
	[sflag:s4] =	ssyncadd.s32 $0xFFFFC000;
	(pc) =	sbr.rel @p1 .LBB2_4-.Ltmp1, $4  }
0xac: {  	[spmem:s1] =	stream.indirect.scatter.add.f32 [tilespmem:s0], [sflag:$0x3], $0x80, s15, s31, $0xb8;
	[tilespmem:$0x1E400] =	vst v63  }
0xad: {  	_ =	swait.ge [sflag:s30], $0x4000  }
0xae: {  	[sflag:s30] =	ssyncset.done $0x0  }
0xaf: {  	s12 =	sadd.s32 $0x180, s12;
	[sflag:s30] =	ssyncadd.s32 $0xFFFFC000  }
0xb0: {  	[tilespmem:s0], [sflag:$0x2] =	stream.indirect.gather [hbm4b:s3+s31], $0x80, s12, s31, $0xb8;
	[tilespmem:$0x1E400] =	vst v63  }
0xb1: {  	_ =	swait.ge [sflag:s5], $0x4000  }
0xb2: {  	[sflag:s5] =	ssyncset.done $0x0  }
0xb3: {  	[sflag:s5] =	ssyncadd.s32 $0xFFFFC000  }
0xb4: {  	[spmem:s1] =	stream.indirect.scatter.add.f32 [tilespmem:s29], [sflag:$0x3], $0x80, s6, s31, $0xb8;
	[tilespmem:$0x1E400] =	vst v63  }
0xb5: {  	_ =	swait.ge [sflag:s30], $0x4000  }
0xb6: {  	[sflag:s30] =	ssyncset.done $0x0  }
0xb7: {  	[sflag:s30] =	ssyncadd.s32 $0xFFFFC000  }
0xb8: {  	_ =	swait.ge [sflag:s4], $0x4000  }
0xb9: {  	[sflag:s4] =	ssyncset.done $0x0  }
0xba: {  	[sflag:s4] =	ssyncadd.s32 $0xFFFFC000  }
0xbb: {  	[spmem:s1] =	stream.indirect.scatter.add.f32 [tilespmem:s0], [sflag:$0x3], $0x80, s7, s31, $0xb8;
	[tilespmem:$0x1E400] =	vst v63  }
0xbc: {  	_ =	swait.ge [sflag:s30], $0x4000  }
0xbd: {  	[sflag:s30] =	ssyncset.done $0x0  }
0xbe: {  	[sflag:s30] =	ssyncadd.s32 $0xFFFFC000  }
0xbf: {  	[bflag:$0x0] =	sbarrier.arrive $0xFFFF  }
0xc0: {  	[tilespmem:s29], [sflag:$0x3] =	stream.linear.gather [spmem:s8], $0x4000, $0x38;
	[tilespmem:$0x1E400] =	vst v63  }
0xc1: {  	_ =	swait.ge [sflag:s30], $0x4000  }
0xc2: {  	[sflag:s30] =	ssyncset.done $0x0  }
0xc3: {  	s11 =	rddreg [dreg:$0xa];
	[sflag:s30] =	ssyncadd.s32 $0xFFFFC000  }
0xc4: {  	[hbm4b:s11+s2] =	stream.linear.scatter [tilespmem:s29], [sflag:$0x3], $0x4000, $0x38;
	[tilespmem:$0x1E400] =	vst v63  }
0xc5: {  	_ =	swait.ge [sflag:s30], $0x4000  }
0xc6: {  	[sflag:s30] =	ssyncset.done $0x0  }
0xc7: {  	[sflag:s30] =	ssyncadd.s32 $0xFFFFC000  }
0xc8: {  	[tilespmem:s29], [sflag:$0x3] =	stream.linear.gather [spmem:s23], $0x4000, $0x38;
	[tilespmem:$0x1E400] =	vst v63  }
0xc9: {  	_ =	swait.ge [sflag:s30], $0x4000  }
0xca: {  	[sflag:s30] =	ssyncset.done $0x0  }
0xcb: {  	[sflag:s30] =	ssyncadd.s32 $0xFFFFC000  }
0xcc: {  	[hbm4b:s17+s2] =	stream.linear.scatter [tilespmem:s29], [sflag:$0x3], $0x4000, $0x38;
	[tilespmem:$0x1E400] =	vst v63  }
0xcd: {  	_ =	swait.ge [sflag:s30], $0x4000  }
0xce: {  	[sflag:s30] =	ssyncset.done $0x0  }
0xcf: {  	[sflag:s30] =	ssyncadd.s32 $0xFFFFC000  }
0xd0: {  	[tilespmem:s29], [sflag:$0x3] =	stream.linear.gather [spmem:s24], $0x4000, $0x38;
	[tilespmem:$0x1E400] =	vst v63  }
0xd1: {  	_ =	swait.ge [sflag:s30], $0x4000  }
0xd2: {  	[sflag:s30] =	ssyncset.done $0x0  }
0xd3: {  	[sflag:s30] =	ssyncadd.s32 $0xFFFFC000  }
0xd4: {  	[hbm4b:s18+s2] =	stream.linear.scatter [tilespmem:s29], [sflag:$0x3], $0x4000, $0x38;
	[tilespmem:$0x1E400] =	vst v63  }
0xd5: {  	_ =	swait.ge [sflag:s30], $0x4000  }
0xd6: {  	[sflag:s30] =	ssyncset.done $0x0  }
0xd7: {  	[sflag:s30] =	ssyncadd.s32 $0xFFFFC000  }
0xd8: {  	[tilespmem:s29], [sflag:$0x3] =	stream.linear.gather [spmem:s25], $0x4000, $0x38;
	[tilespmem:$0x1E400] =	vst v63  }
0xd9: {  	_ =	swait.ge [sflag:s30], $0x4000  }
0xda: {  	[sflag:s30] =	ssyncset.done $0x0  }
0xdb: {  	[sflag:s30] =	ssyncadd.s32 $0xFFFFC000  }
0xdc: {  	[hbm4b:s19+s2] =	stream.linear.scatter [tilespmem:s29], [sflag:$0x3], $0x4000, $0x38;
	[tilespmem:$0x1E400] =	vst v63  }
0xdd: {  	_ =	swait.ge [sflag:s30], $0x4000  }
0xde: {  	[sflag:s30] =	ssyncset.done $0x0  }
0xdf: {  	[sflag:s30] =	ssyncadd.s32 $0xFFFFC000  }
0xe0: {  	[tilespmem:s29], [sflag:$0x3] =	stream.linear.gather [spmem:s9], $0x3C00, $0x38;
	[tilespmem:$0x1E400] =	vst v63  }
0xe1: {  	s10 =	sadd.s32 $0x1, s10;
	_ =	swait.ge [sflag:s30], $0x3C00  }
0xe2: {  	p1 =	sne.s32 s10, s21;
	[sflag:s30] =	ssyncset.done $0x0  }
.Ltmp2:
0xe3: {  	s16 =	rddreg [dreg:$0x9];
	[sflag:s30] =	ssyncadd.s32 $0xFFFFC400;
	(pc) =	sbr.rel @p1 .LBB2_1-.Ltmp2, $4  }
0xe4: {  	[hbm4b:s16+s2] =	stream.linear.scatter [tilespmem:s29], [sflag:$0x3], $0x3C00, $0x38;
	[tilespmem:$0x1E400] =	vst v63  }
0xe5: {  	_ =	swait.ge [sflag:s30], $0x3C00  }
0xe6: {  	[sflag:s30] =	ssyncset.done $0x0  }
0xe7: {  	[sflag:s30] =	ssyncadd.s32 $0xFFFFC400  }
0xe8: {  	_ =	sfence.sel $0x180000  }
0xe9: {  	[bflag:$0x0] =	sbarrier.arrive $0xFFFF  }
0xea: {  	_ =	strace $0x9000004A  }
0xeb: {  	s0 =	stileid.u32;
	[bflag:$0x2] =	sbarrier.arrive $0xFFFF  }
0xec: {  	p0 =	sne.s32 s0, $0x0;
	s0 =	rddreg [dreg:$0x2]  }
0xed: {  	s0 =	sadd.s32 @!p0 $0x100000, s0  }
0xee: {  	[sflag:s0] =	ssyncadd.tile.s32 @!p0 $0x1;
	_ =	shalt  }
.Lfunc_end2:
_tile_overlayer_lowered:
.L_overlay_start_2:
0xef: {  	(tag) =	ssettag $0x2  }
0xf0: {  	s0 =	rddreg [dreg:$0x0];
	s2 =	stileid.u32  }
0xf1: {  	s1 =	rddreg [dreg:$0x1];
	p0 =	sne.s32 s2, $0x0  }
0xf2: {  	s3 =	rddreg [dreg:$0x2];
	[bflag:$0x3] =	sbarrier.arrive $0xFFFF;
	s2 =	simm.s32 @!p0 $0x1C03  }
0xf3: {  	[timem:s3], [sflag:s2] =	dma.local @!p0 [hbm:s0], s1  }
0xf4: {  	s0 =	simm.s32 @!p0 $0x3  }
0xf5: {  	_ =	swait.ge @!p0 [sflag:s0], s1  }
0xf6: {  	s1 =	ssub.s32 @!p0 $0x0, s1;
	[sflag:s0] =	ssyncset.done @!p0 $0x0  }
0xf7: {  	[sflag:s0] =	ssyncadd.s32 @!p0 s1  }
0xf8: {  	[bflag:$0x3] =	sbarrier.arrive $0xFFFF  }
0xf9: {  	_ =	shalt  }

</sc_bundles>
